<compile_context>
chip_gen: v7x
topology: tpu7x:2x2x1
jax: 0.10.2.dev20260603
libtpu: 0.0.44.dev20260713+nightly
codegen_flags: <defaults>
</compile_context>

<pallas_src>
import jax
import jax.numpy as jnp
from jax import lax
from jax.experimental import pallas as pl
from jax.experimental.pallas import tpu as pltpu
from jax.experimental.pallas import tpu_sc as plsc

BATCH = 16384
D = 32
NC = 2
NS = 16
L = 16
NW = NC * NS
BPW = BATCH // NW
CHUNK = 128
NCH = BPW // CHUNK


def _sc_body(user_hbm, item_hbm, uf_hbm, if_hbm, out_hbm,
             uidx_v, iidx_v, urows_v, irows_v, out_v, sem):
    wid = lax.axis_index("s") * NC + lax.axis_index("c")
    base = wid * BPW

    for j in range(NCH):
        pltpu.sync_copy(user_hbm.at[pl.ds(base + j * CHUNK, CHUNK)], uidx_v.at[j])
        pltpu.sync_copy(item_hbm.at[pl.ds(base + j * CHUNK, CHUNK)], iidx_v.at[j])

    copies = []
    for j in range(NCH):
        copies.append(pltpu.async_copy(
            uf_hbm.at[uidx_v.at[j]], urows_v.at[pl.ds(j * CHUNK, CHUNK)], sem))
        copies.append(pltpu.async_copy(
            if_hbm.at[iidx_v.at[j]], irows_v.at[pl.ds(j * CHUNK, CHUNK)], sem))
    for c in copies:
        c.wait()

    lane = lax.iota(jnp.int32, L)

    def group(g, carry):
        rows = g * L + lane
        acc = jnp.zeros((L,), jnp.float32)
        for k in range(D):
            col = jnp.full((L,), k, jnp.int32)
            uv = plsc.load_gather(urows_v, [rows, col])
            iv = plsc.load_gather(irows_v, [rows, col])
            acc = acc + uv * iv
        out_v[pl.ds(g * L, L)] = acc
        return carry

    lax.fori_loop(0, BPW // L, group, 0)

    pltpu.sync_copy(out_v, out_hbm.at[pl.ds(base, BPW)])


def kernel(user, item, user_factors, item_factors):
    mesh = plsc.VectorSubcoreMesh(core_axis_name="c", subcore_axis_name="s")
    sc_call = pl.kernel(
        _sc_body,
        out_type=jax.ShapeDtypeStruct((BATCH,), jnp.float32),
        mesh=mesh,
        compiler_params=pltpu.CompilerParams(
            needs_layout_passes=False, use_tc_tiling_on_sc=False),
        scratch_types=[
            pltpu.VMEM((NCH, CHUNK), jnp.int32),
            pltpu.VMEM((NCH, CHUNK), jnp.int32),
            pltpu.VMEM((BPW, D), jnp.float32),
            pltpu.VMEM((BPW, D), jnp.float32),
            pltpu.VMEM((BPW,), jnp.float32),
            pltpu.SemaphoreType.DMA,
        ],
    )
    return sc_call(user.astype(jnp.int32), item.astype(jnp.int32),
                   user_factors, item_factors)

# --- scband reference (transcript-rebuilt; emitter-appended) ---
"""Pipeline reference for scband-matrix-factorization-88184268522253 (READ-ONLY COPY).

The authoritative reference and input builder live on the scoring server;
editing this copy changes nothing except your own understanding.
"""

import jax, jax.numpy as jnp
import numpy as np

NUM_USERS = 1000000
NUM_ITEMS = 1000000
NUM_FACTORS = 32
BATCH = 16384

def setup_inputs(seed: int = 0) -> dict:
    key = jax.random.key(seed)
    k1, k2, k3, k4 = jax.random.split(key, 4)
    user = jax.random.randint(k1, (BATCH,), 0, NUM_USERS, dtype=jnp.int64 if jax.config.jax_enable_x64 else jnp.int32)
    item = jax.random.randint(k2, (BATCH,), 0, NUM_ITEMS, dtype=jnp.int64 if jax.config.jax_enable_x64 else jnp.int32)
    user_factors = jax.random.normal(k3, (NUM_USERS, NUM_FACTORS), dtype=jnp.float32) * 0.01
    item_factors = jax.random.normal(k4, (NUM_ITEMS, NUM_FACTORS), dtype=jnp.float32) * 0.01
    return {"user": user, "item": item, "user_factors": user_factors, "item_factors": item_factors}

def reference(user, item, user_factors, item_factors):
    # Dropout is identity in eval mode.
    user_embedding = jnp.take(user_factors, user, axis=0)
    item_embedding = jnp.take(item_factors, item, axis=0)
    return (user_embedding * item_embedding).sum(axis=1)

if __name__ == "__main__":
    import jax
    _d = setup_inputs()
    print(jax.jit(kernel)(*tuple(_d.values())))

</pallas_src>

<mosaic_0001>
#map = affine_map<(d0, d1) -> (0)>
#map1 = affine_map<(d0, d1) -> (0, 0)>
module attributes {stable_mosaic.version = 14 : i64} {
  func.func @_sc_body(%arg0: i32, %arg1: i32, %arg2: memref<16384xi32, #tpu.memory_space<hbm>>, %arg3: memref<16384xi32, #tpu.memory_space<hbm>>, %arg4: memref<1000000x32xf32, #tpu.memory_space<hbm>>, %arg5: memref<1000000x32xf32, #tpu.memory_space<hbm>>, %arg6: memref<16384xf32, #tpu.memory_space<hbm>>, %arg7: memref<4x128xi32, #tpu.memory_space<vmem>>, %arg8: memref<4x128xi32, #tpu.memory_space<vmem>>, %arg9: memref<512x32xf32, #tpu.memory_space<vmem>>, %arg10: memref<512x32xf32, #tpu.memory_space<vmem>>, %arg11: memref<512xf32, #tpu.memory_space<vmem>>, %arg12: memref<!tpu.dma_semaphore, #tpu.memory_space<semaphore_mem>>) attributes {dimension_semantics = [#tpu.dimension_semantics<core_parallel>, #tpu.dimension_semantics<subcore_parallel>], iteration_bounds = array<i64: 2, 16>, scalar_prefetch = 0 : i64, scratch_operands = 6 : i64, tpu.core_type = #tpu.core_type<sc_vector_subcore>, window_params = [{transform_indices = #map}, {transform_indices = #map}, {transform_indices = #map1}, {transform_indices = #map1}, {transform_indices = #map}]} {
    %mul3A = arith.constant 2 : i32
    %mul3A_0 = arith.muli %arg1, %mul3A : i32
    %add3A = arith.addi %mul3A_0, %arg0 : i32
    %mul3A_1 = arith.constant 512 : i32
    %mul3A_2 = arith.muli %add3A, %mul3A_1 : i32
    %add3A_3 = arith.constant 0 : i32
    %add3A_4 = arith.addi %mul3A_2, %add3A_3 : i32
    %run_scoped3A = arith.constant 0 : i32
    "tpu.region"() ({
      %run_scoped3A_189 = tpu.sem_alloc : memref<!tpu.dma_semaphore, #tpu.memory_space<semaphore_mem>>
      %dma_start3A_190 = arith.constant 0 : i32
      %dma_start3A_191 = tpu.memref_slice %arg7[%run_scoped3A, %dma_start3A_190] : memref<4x128xi32, #tpu.memory_space<vmem>> -> memref<1x128xi32, #tpu.memory_space<vmem>>
      %dma_start3A_192 = tpu.memref_squeeze %dma_start3A_191 : memref<1x128xi32, #tpu.memory_space<vmem>> -> memref<128xi32, #tpu.memory_space<vmem>>
      %dma_start3A_193 = tpu.memref_slice %arg2[%add3A_4] : memref<16384xi32, #tpu.memory_space<hbm>> -> memref<128xi32, #tpu.memory_space<hbm>>
      %dma_start3A_194 = arith.constant 0 : i32
      %dma_start3A_195 = tpu.memref_slice %arg7[%run_scoped3A, %dma_start3A_194] : memref<4x128xi32, #tpu.memory_space<vmem>> -> memref<1x128xi32, #tpu.memory_space<vmem>>
      %dma_start3A_196 = tpu.memref_squeeze %dma_start3A_195 : memref<1x128xi32, #tpu.memory_space<vmem>> -> memref<128xi32, #tpu.memory_space<vmem>>
      %dma_start3A_197 = tpu.memref_slice %arg2[%add3A_4] : memref<16384xi32, #tpu.memory_space<hbm>> -> memref<128xi32, #tpu.memory_space<hbm>>
      tpu.enqueue_dma source(%dma_start3A_197 : memref<128xi32, #tpu.memory_space<hbm>>) target(%dma_start3A_196 : memref<128xi32, #tpu.memory_space<vmem>>) target_semaphore(%run_scoped3A_189 : memref<!tpu.dma_semaphore, #tpu.memory_space<semaphore_mem>>)
      %dma_wait3A_198 = arith.constant 0 : i32
      %dma_wait3A_199 = tpu.memref_slice %arg7[%run_scoped3A, %dma_wait3A_198] : memref<4x128xi32, #tpu.memory_space<vmem>> -> memref<1x128xi32, #tpu.memory_space<vmem>>
      %dma_wait3A_200 = tpu.memref_squeeze %dma_wait3A_199 : memref<1x128xi32, #tpu.memory_space<vmem>> -> memref<128xi32, #tpu.memory_space<vmem>>
      %dma_wait3A_201 = tpu.memref_slice %arg2[%add3A_4] : memref<16384xi32, #tpu.memory_space<hbm>> -> memref<128xi32, #tpu.memory_space<hbm>>
      %dma_wait3A_202 = arith.constant 0 : i32
      %dma_wait3A_203 = tpu.memref_slice %arg7[%run_scoped3A, %dma_wait3A_202] : memref<4x128xi32, #tpu.memory_space<vmem>> -> memref<1x128xi32, #tpu.memory_space<vmem>>
      %dma_wait3A_204 = tpu.memref_squeeze %dma_wait3A_203 : memref<1x128xi32, #tpu.memory_space<vmem>> -> memref<128xi32, #tpu.memory_space<vmem>>
      %dma_wait3A_205 = tpu.memref_slice %arg2[%add3A_4] : memref<16384xi32, #tpu.memory_space<hbm>> -> memref<128xi32, #tpu.memory_space<hbm>>
      tpu.wait_dma2 semaphore(%run_scoped3A_189 : memref<!tpu.dma_semaphore, #tpu.memory_space<semaphore_mem>>) src(%dma_wait3A_205 : memref<128xi32, #tpu.memory_space<hbm>>) dst(%dma_wait3A_204 : memref<128xi32, #tpu.memory_space<vmem>>)
      tpu.yield
    }) : () -> ()
    %add3A_5 = arith.constant 0 : i32
    %add3A_6 = arith.addi %mul3A_2, %add3A_5 : i32
    %run_scoped3A_7 = arith.constant 0 : i32
    "tpu.region"() ({
      %run_scoped3A_189 = tpu.sem_alloc : memref<!tpu.dma_semaphore, #tpu.memory_space<semaphore_mem>>
      %dma_start3A_190 = arith.constant 0 : i32
      %dma_start3A_191 = tpu.memref_slice %arg8[%run_scoped3A_7, %dma_start3A_190] : memref<4x128xi32, #tpu.memory_space<vmem>> -> memref<1x128xi32, #tpu.memory_space<vmem>>
      %dma_start3A_192 = tpu.memref_squeeze %dma_start3A_191 : memref<1x128xi32, #tpu.memory_space<vmem>> -> memref<128xi32, #tpu.memory_space<vmem>>
      %dma_start3A_193 = tpu.memref_slice %arg3[%add3A_6] : memref<16384xi32, #tpu.memory_space<hbm>> -> memref<128xi32, #tpu.memory_space<hbm>>
      %dma_start3A_194 = arith.constant 0 : i32
      %dma_start3A_195 = tpu.memref_slice %arg8[%run_scoped3A_7, %dma_start3A_194] : memref<4x128xi32, #tpu.memory_space<vmem>> -> memref<1x128xi32, #tpu.memory_space<vmem>>
      %dma_start3A_196 = tpu.memref_squeeze %dma_start3A_195 : memref<1x128xi32, #tpu.memory_space<vmem>> -> memref<128xi32, #tpu.memory_space<vmem>>
      %dma_start3A_197 = tpu.memref_slice %arg3[%add3A_6] : memref<16384xi32, #tpu.memory_space<hbm>> -> memref<128xi32, #tpu.memory_space<hbm>>
      tpu.enqueue_dma source(%dma_start3A_197 : memref<128xi32, #tpu.memory_space<hbm>>) target(%dma_start3A_196 : memref<128xi32, #tpu.memory_space<vmem>>) target_semaphore(%run_scoped3A_189 : memref<!tpu.dma_semaphore, #tpu.memory_space<semaphore_mem>>)
      %dma_wait3A_198 = arith.constant 0 : i32
      %dma_wait3A_199 = tpu.memref_slice %arg8[%run_scoped3A_7, %dma_wait3A_198] : memref<4x128xi32, #tpu.memory_space<vmem>> -> memref<1x128xi32, #tpu.memory_space<vmem>>
      %dma_wait3A_200 = tpu.memref_squeeze %dma_wait3A_199 : memref<1x128xi32, #tpu.memory_space<vmem>> -> memref<128xi32, #tpu.memory_space<vmem>>
      %dma_wait3A_201 = tpu.memref_slice %arg3[%add3A_6] : memref<16384xi32, #tpu.memory_space<hbm>> -> memref<128xi32, #tpu.memory_space<hbm>>
      %dma_wait3A_202 = arith.constant 0 : i32
      %dma_wait3A_203 = tpu.memref_slice %arg8[%run_scoped3A_7, %dma_wait3A_202] : memref<4x128xi32, #tpu.memory_space<vmem>> -> memref<1x128xi32, #tpu.memory_space<vmem>>
      %dma_wait3A_204 = tpu.memref_squeeze %dma_wait3A_203 : memref<1x128xi32, #tpu.memory_space<vmem>> -> memref<128xi32, #tpu.memory_space<vmem>>
      %dma_wait3A_205 = tpu.memref_slice %arg3[%add3A_6] : memref<16384xi32, #tpu.memory_space<hbm>> -> memref<128xi32, #tpu.memory_space<hbm>>
      tpu.wait_dma2 semaphore(%run_scoped3A_189 : memref<!tpu.dma_semaphore, #tpu.memory_space<semaphore_mem>>) src(%dma_wait3A_205 : memref<128xi32, #tpu.memory_space<hbm>>) dst(%dma_wait3A_204 : memref<128xi32, #tpu.memory_space<vmem>>)
      tpu.yield
    }) : () -> ()
    %add3A_8 = arith.constant 128 : i32
    %add3A_9 = arith.addi %mul3A_2, %add3A_8 : i32
    %run_scoped3A_10 = arith.constant 1 : i32
    "tpu.region"() ({
      %run_scoped3A_189 = tpu.sem_alloc : memref<!tpu.dma_semaphore, #tpu.memory_space<semaphore_mem>>
      %dma_start3A_190 = arith.constant 0 : i32
      %dma_start3A_191 = tpu.memref_slice %arg7[%run_scoped3A_10, %dma_start3A_190] : memref<4x128xi32, #tpu.memory_space<vmem>> -> memref<1x128xi32, #tpu.memory_space<vmem>>
      %dma_start3A_192 = tpu.memref_squeeze %dma_start3A_191 : memref<1x128xi32, #tpu.memory_space<vmem>> -> memref<128xi32, #tpu.memory_space<vmem>>
      %dma_start3A_193 = tpu.memref_slice %arg2[%add3A_9] : memref<16384xi32, #tpu.memory_space<hbm>> -> memref<128xi32, #tpu.memory_space<hbm>>
      %dma_start3A_194 = arith.constant 0 : i32
      %dma_start3A_195 = tpu.memref_slice %arg7[%run_scoped3A_10, %dma_start3A_194] : memref<4x128xi32, #tpu.memory_space<vmem>> -> memref<1x128xi32, #tpu.memory_space<vmem>>
      %dma_start3A_196 = tpu.memref_squeeze %dma_start3A_195 : memref<1x128xi32, #tpu.memory_space<vmem>> -> memref<128xi32, #tpu.memory_space<vmem>>
      %dma_start3A_197 = tpu.memref_slice %arg2[%add3A_9] : memref<16384xi32, #tpu.memory_space<hbm>> -> memref<128xi32, #tpu.memory_space<hbm>>
      tpu.enqueue_dma source(%dma_start3A_197 : memref<128xi32, #tpu.memory_space<hbm>>) target(%dma_start3A_196 : memref<128xi32, #tpu.memory_space<vmem>>) target_semaphore(%run_scoped3A_189 : memref<!tpu.dma_semaphore, #tpu.memory_space<semaphore_mem>>)
      %dma_wait3A_198 = arith.constant 0 : i32
      %dma_wait3A_199 = tpu.memref_slice %arg7[%run_scoped3A_10, %dma_wait3A_198] : memref<4x128xi32, #tpu.memory_space<vmem>> -> memref<1x128xi32, #tpu.memory_space<vmem>>
      %dma_wait3A_200 = tpu.memref_squeeze %dma_wait3A_199 : memref<1x128xi32, #tpu.memory_space<vmem>> -> memref<128xi32, #tpu.memory_space<vmem>>
      %dma_wait3A_201 = tpu.memref_slice %arg2[%add3A_9] : memref<16384xi32, #tpu.memory_space<hbm>> -> memref<128xi32, #tpu.memory_space<hbm>>
      %dma_wait3A_202 = arith.constant 0 : i32
      %dma_wait3A_203 = tpu.memref_slice %arg7[%run_scoped3A_10, %dma_wait3A_202] : memref<4x128xi32, #tpu.memory_space<vmem>> -> memref<1x128xi32, #tpu.memory_space<vmem>>
      %dma_wait3A_204 = tpu.memref_squeeze %dma_wait3A_203 : memref<1x128xi32, #tpu.memory_space<vmem>> -> memref<128xi32, #tpu.memory_space<vmem>>
      %dma_wait3A_205 = tpu.memref_slice %arg2[%add3A_9] : memref<16384xi32, #tpu.memory_space<hbm>> -> memref<128xi32, #tpu.memory_space<hbm>>
      tpu.wait_dma2 semaphore(%run_scoped3A_189 : memref<!tpu.dma_semaphore, #tpu.memory_space<semaphore_mem>>) src(%dma_wait3A_205 : memref<128xi32, #tpu.memory_space<hbm>>) dst(%dma_wait3A_204 : memref<128xi32, #tpu.memory_space<vmem>>)
      tpu.yield
    }) : () -> ()
    %add3A_11 = arith.constant 128 : i32
    %add3A_12 = arith.addi %mul3A_2, %add3A_11 : i32
    %run_scoped3A_13 = arith.constant 1 : i32
    "tpu.region"() ({
      %run_scoped3A_189 = tpu.sem_alloc : memref<!tpu.dma_semaphore, #tpu.memory_space<semaphore_mem>>
      %dma_start3A_190 = arith.constant 0 : i32
      %dma_start3A_191 = tpu.memref_slice %arg8[%run_scoped3A_13, %dma_start3A_190] : memref<4x128xi32, #tpu.memory_space<vmem>> -> memref<1x128xi32, #tpu.memory_space<vmem>>
      %dma_start3A_192 = tpu.memref_squeeze %dma_start3A_191 : memref<1x128xi32, #tpu.memory_space<vmem>> -> memref<128xi32, #tpu.memory_space<vmem>>
      %dma_start3A_193 = tpu.memref_slice %arg3[%add3A_12] : memref<16384xi32, #tpu.memory_space<hbm>> -> memref<128xi32, #tpu.memory_space<hbm>>
      %dma_start3A_194 = arith.constant 0 : i32
      %dma_start3A_195 = tpu.memref_slice %arg8[%run_scoped3A_13, %dma_start3A_194] : memref<4x128xi32, #tpu.memory_space<vmem>> -> memref<1x128xi32, #tpu.memory_space<vmem>>
      %dma_start3A_196 = tpu.memref_squeeze %dma_start3A_195 : memref<1x128xi32, #tpu.memory_space<vmem>> -> memref<128xi32, #tpu.memory_space<vmem>>
      %dma_start3A_197 = tpu.memref_slice %arg3[%add3A_12] : memref<16384xi32, #tpu.memory_space<hbm>> -> memref<128xi32, #tpu.memory_space<hbm>>
      tpu.enqueue_dma source(%dma_start3A_197 : memref<128xi32, #tpu.memory_space<hbm>>) target(%dma_start3A_196 : memref<128xi32, #tpu.memory_space<vmem>>) target_semaphore(%run_scoped3A_189 : memref<!tpu.dma_semaphore, #tpu.memory_space<semaphore_mem>>)
      %dma_wait3A_198 = arith.constant 0 : i32
      %dma_wait3A_199 = tpu.memref_slice %arg8[%run_scoped3A_13, %dma_wait3A_198] : memref<4x128xi32, #tpu.memory_space<vmem>> -> memref<1x128xi32, #tpu.memory_space<vmem>>
      %dma_wait3A_200 = tpu.memref_squeeze %dma_wait3A_199 : memref<1x128xi32, #tpu.memory_space<vmem>> -> memref<128xi32, #tpu.memory_space<vmem>>
      %dma_wait3A_201 = tpu.memref_slice %arg3[%add3A_12] : memref<16384xi32, #tpu.memory_space<hbm>> -> memref<128xi32, #tpu.memory_space<hbm>>
      %dma_wait3A_202 = arith.constant 0 : i32
      %dma_wait3A_203 = tpu.memref_slice %arg8[%run_scoped3A_13, %dma_wait3A_202] : memref<4x128xi32, #tpu.memory_space<vmem>> -> memref<1x128xi32, #tpu.memory_space<vmem>>
      %dma_wait3A_204 = tpu.memref_squeeze %dma_wait3A_203 : memref<1x128xi32, #tpu.memory_space<vmem>> -> memref<128xi32, #tpu.memory_space<vmem>>
      %dma_wait3A_205 = tpu.memref_slice %arg3[%add3A_12] : memref<16384xi32, #tpu.memory_space<hbm>> -> memref<128xi32, #tpu.memory_space<hbm>>
      tpu.wait_dma2 semaphore(%run_scoped3A_189 : memref<!tpu.dma_semaphore, #tpu.memory_space<semaphore_mem>>) src(%dma_wait3A_205 : memref<128xi32, #tpu.memory_space<hbm>>) dst(%dma_wait3A_204 : memref<128xi32, #tpu.memory_space<vmem>>)
      tpu.yield
    }) : () -> ()
    %add3A_14 = arith.constant 256 : i32
    %add3A_15 = arith.addi %mul3A_2, %add3A_14 : i32
    %run_scoped3A_16 = arith.constant 2 : i32
    "tpu.region"() ({
      %run_scoped3A_189 = tpu.sem_alloc : memref<!tpu.dma_semaphore, #tpu.memory_space<semaphore_mem>>
      %dma_start3A_190 = arith.constant 0 : i32
      %dma_start3A_191 = tpu.memref_slice %arg7[%run_scoped3A_16, %dma_start3A_190] : memref<4x128xi32, #tpu.memory_space<vmem>> -> memref<1x128xi32, #tpu.memory_space<vmem>>
      %dma_start3A_192 = tpu.memref_squeeze %dma_start3A_191 : memref<1x128xi32, #tpu.memory_space<vmem>> -> memref<128xi32, #tpu.memory_space<vmem>>
      %dma_start3A_193 = tpu.memref_slice %arg2[%add3A_15] : memref<16384xi32, #tpu.memory_space<hbm>> -> memref<128xi32, #tpu.memory_space<hbm>>
      %dma_start3A_194 = arith.constant 0 : i32
      %dma_start3A_195 = tpu.memref_slice %arg7[%run_scoped3A_16, %dma_start3A_194] : memref<4x128xi32, #tpu.memory_space<vmem>> -> memref<1x128xi32, #tpu.memory_space<vmem>>
      %dma_start3A_196 = tpu.memref_squeeze %dma_start3A_195 : memref<1x128xi32, #tpu.memory_space<vmem>> -> memref<128xi32, #tpu.memory_space<vmem>>
      %dma_start3A_197 = tpu.memref_slice %arg2[%add3A_15] : memref<16384xi32, #tpu.memory_space<hbm>> -> memref<128xi32, #tpu.memory_space<hbm>>
      tpu.enqueue_dma source(%dma_start3A_197 : memref<128xi32, #tpu.memory_space<hbm>>) target(%dma_start3A_196 : memref<128xi32, #tpu.memory_space<vmem>>) target_semaphore(%run_scoped3A_189 : memref<!tpu.dma_semaphore, #tpu.memory_space<semaphore_mem>>)
      %dma_wait3A_198 = arith.constant 0 : i32
      %dma_wait3A_199 = tpu.memref_slice %arg7[%run_scoped3A_16, %dma_wait3A_198] : memref<4x128xi32, #tpu.memory_space<vmem>> -> memref<1x128xi32, #tpu.memory_space<vmem>>
      %dma_wait3A_200 = tpu.memref_squeeze %dma_wait3A_199 : memref<1x128xi32, #tpu.memory_space<vmem>> -> memref<128xi32, #tpu.memory_space<vmem>>
      %dma_wait3A_201 = tpu.memref_slice %arg2[%add3A_15] : memref<16384xi32, #tpu.memory_space<hbm>> -> memref<128xi32, #tpu.memory_space<hbm>>
      %dma_wait3A_202 = arith.constant 0 : i32
      %dma_wait3A_203 = tpu.memref_slice %arg7[%run_scoped3A_16, %dma_wait3A_202] : memref<4x128xi32, #tpu.memory_space<vmem>> -> memref<1x128xi32, #tpu.memory_space<vmem>>
      %dma_wait3A_204 = tpu.memref_squeeze %dma_wait3A_203 : memref<1x128xi32, #tpu.memory_space<vmem>> -> memref<128xi32, #tpu.memory_space<vmem>>
      %dma_wait3A_205 = tpu.memref_slice %arg2[%add3A_15] : memref<16384xi32, #tpu.memory_space<hbm>> -> memref<128xi32, #tpu.memory_space<hbm>>
      tpu.wait_dma2 semaphore(%run_scoped3A_189 : memref<!tpu.dma_semaphore, #tpu.memory_space<semaphore_mem>>) src(%dma_wait3A_205 : memref<128xi32, #tpu.memory_space<hbm>>) dst(%dma_wait3A_204 : memref<128xi32, #tpu.memory_space<vmem>>)
      tpu.yield
    }) : () -> ()
    %add3A_17 = arith.constant 256 : i32
    %add3A_18 = arith.addi %mul3A_2, %add3A_17 : i32
    %run_scoped3A_19 = arith.constant 2 : i32
    "tpu.region"() ({
      %run_scoped3A_189 = tpu.sem_alloc : memref<!tpu.dma_semaphore, #tpu.memory_space<semaphore_mem>>
      %dma_start3A_190 = arith.constant 0 : i32
      %dma_start3A_191 = tpu.memref_slice %arg8[%run_scoped3A_19, %dma_start3A_190] : memref<4x128xi32, #tpu.memory_space<vmem>> -> memref<1x128xi32, #tpu.memory_space<vmem>>
      %dma_start3A_192 = tpu.memref_squeeze %dma_start3A_191 : memref<1x128xi32, #tpu.memory_space<vmem>> -> memref<128xi32, #tpu.memory_space<vmem>>
      %dma_start3A_193 = tpu.memref_slice %arg3[%add3A_18] : memref<16384xi32, #tpu.memory_space<hbm>> -> memref<128xi32, #tpu.memory_space<hbm>>
      %dma_start3A_194 = arith.constant 0 : i32
      %dma_start3A_195 = tpu.memref_slice %arg8[%run_scoped3A_19, %dma_start3A_194] : memref<4x128xi32, #tpu.memory_space<vmem>> -> memref<1x128xi32, #tpu.memory_space<vmem>>
      %dma_start3A_196 = tpu.memref_squeeze %dma_start3A_195 : memref<1x128xi32, #tpu.memory_space<vmem>> -> memref<128xi32, #tpu.memory_space<vmem>>
      %dma_start3A_197 = tpu.memref_slice %arg3[%add3A_18] : memref<16384xi32, #tpu.memory_space<hbm>> -> memref<128xi32, #tpu.memory_space<hbm>>
      tpu.enqueue_dma source(%dma_start3A_197 : memref<128xi32, #tpu.memory_space<hbm>>) target(%dma_start3A_196 : memref<128xi32, #tpu.memory_space<vmem>>) target_semaphore(%run_scoped3A_189 : memref<!tpu.dma_semaphore, #tpu.memory_space<semaphore_mem>>)
      %dma_wait3A_198 = arith.constant 0 : i32
      %dma_wait3A_199 = tpu.memref_slice %arg8[%run_scoped3A_19, %dma_wait3A_198] : memref<4x128xi32, #tpu.memory_space<vmem>> -> memref<1x128xi32, #tpu.memory_space<vmem>>
      %dma_wait3A_200 = tpu.memref_squeeze %dma_wait3A_199 : memref<1x128xi32, #tpu.memory_space<vmem>> -> memref<128xi32, #tpu.memory_space<vmem>>
      %dma_wait3A_201 = tpu.memref_slice %arg3[%add3A_18] : memref<16384xi32, #tpu.memory_space<hbm>> -> memref<128xi32, #tpu.memory_space<hbm>>
      %dma_wait3A_202 = arith.constant 0 : i32
      %dma_wait3A_203 = tpu.memref_slice %arg8[%run_scoped3A_19, %dma_wait3A_202] : memref<4x128xi32, #tpu.memory_space<vmem>> -> memref<1x128xi32, #tpu.memory_space<vmem>>
      %dma_wait3A_204 = tpu.memref_squeeze %dma_wait3A_203 : memref<1x128xi32, #tpu.memory_space<vmem>> -> memref<128xi32, #tpu.memory_space<vmem>>
      %dma_wait3A_205 = tpu.memref_slice %arg3[%add3A_18] : memref<16384xi32, #tpu.memory_space<hbm>> -> memref<128xi32, #tpu.memory_space<hbm>>
      tpu.wait_dma2 semaphore(%run_scoped3A_189 : memref<!tpu.dma_semaphore, #tpu.memory_space<semaphore_mem>>) src(%dma_wait3A_205 : memref<128xi32, #tpu.memory_space<hbm>>) dst(%dma_wait3A_204 : memref<128xi32, #tpu.memory_space<vmem>>)
      tpu.yield
    }) : () -> ()
    %add3A_20 = arith.constant 384 : i32
    %add3A_21 = arith.addi %mul3A_2, %add3A_20 : i32
    %run_scoped3A_22 = arith.constant 3 : i32
    "tpu.region"() ({
      %run_scoped3A_189 = tpu.sem_alloc : memref<!tpu.dma_semaphore, #tpu.memory_space<semaphore_mem>>
      %dma_start3A_190 = arith.constant 0 : i32
      %dma_start3A_191 = tpu.memref_slice %arg7[%run_scoped3A_22, %dma_start3A_190] : memref<4x128xi32, #tpu.memory_space<vmem>> -> memref<1x128xi32, #tpu.memory_space<vmem>>
      %dma_start3A_192 = tpu.memref_squeeze %dma_start3A_191 : memref<1x128xi32, #tpu.memory_space<vmem>> -> memref<128xi32, #tpu.memory_space<vmem>>
      %dma_start3A_193 = tpu.memref_slice %arg2[%add3A_21] : memref<16384xi32, #tpu.memory_space<hbm>> -> memref<128xi32, #tpu.memory_space<hbm>>
      %dma_start3A_194 = arith.constant 0 : i32
      %dma_start3A_195 = tpu.memref_slice %arg7[%run_scoped3A_22, %dma_start3A_194] : memref<4x128xi32, #tpu.memory_space<vmem>> -> memref<1x128xi32, #tpu.memory_space<vmem>>
      %dma_start3A_196 = tpu.memref_squeeze %dma_start3A_195 : memref<1x128xi32, #tpu.memory_space<vmem>> -> memref<128xi32, #tpu.memory_space<vmem>>
      %dma_start3A_197 = tpu.memref_slice %arg2[%add3A_21] : memref<16384xi32, #tpu.memory_space<hbm>> -> memref<128xi32, #tpu.memory_space<hbm>>
      tpu.enqueue_dma source(%dma_start3A_197 : memref<128xi32, #tpu.memory_space<hbm>>) target(%dma_start3A_196 : memref<128xi32, #tpu.memory_space<vmem>>) target_semaphore(%run_scoped3A_189 : memref<!tpu.dma_semaphore, #tpu.memory_space<semaphore_mem>>)
      %dma_wait3A_198 = arith.constant 0 : i32
      %dma_wait3A_199 = tpu.memref_slice %arg7[%run_scoped3A_22, %dma_wait3A_198] : memref<4x128xi32, #tpu.memory_space<vmem>> -> memref<1x128xi32, #tpu.memory_space<vmem>>
      %dma_wait3A_200 = tpu.memref_squeeze %dma_wait3A_199 : memref<1x128xi32, #tpu.memory_space<vmem>> -> memref<128xi32, #tpu.memory_space<vmem>>
      %dma_wait3A_201 = tpu.memref_slice %arg2[%add3A_21] : memref<16384xi32, #tpu.memory_space<hbm>> -> memref<128xi32, #tpu.memory_space<hbm>>
      %dma_wait3A_202 = arith.constant 0 : i32
      %dma_wait3A_203 = tpu.memref_slice %arg7[%run_scoped3A_22, %dma_wait3A_202] : memref<4x128xi32, #tpu.memory_space<vmem>> -> memref<1x128xi32, #tpu.memory_space<vmem>>
      %dma_wait3A_204 = tpu.memref_squeeze %dma_wait3A_203 : memref<1x128xi32, #tpu.memory_space<vmem>> -> memref<128xi32, #tpu.memory_space<vmem>>
      %dma_wait3A_205 = tpu.memref_slice %arg2[%add3A_21] : memref<16384xi32, #tpu.memory_space<hbm>> -> memref<128xi32, #tpu.memory_space<hbm>>
      tpu.wait_dma2 semaphore(%run_scoped3A_189 : memref<!tpu.dma_semaphore, #tpu.memory_space<semaphore_mem>>) src(%dma_wait3A_205 : memref<128xi32, #tpu.memory_space<hbm>>) dst(%dma_wait3A_204 : memref<128xi32, #tpu.memory_space<vmem>>)
      tpu.yield
    }) : () -> ()
    %add3A_23 = arith.constant 384 : i32
    %add3A_24 = arith.addi %mul3A_2, %add3A_23 : i32
    %run_scoped3A_25 = arith.constant 3 : i32
    "tpu.region"() ({
      %run_scoped3A_189 = tpu.sem_alloc : memref<!tpu.dma_semaphore, #tpu.memory_space<semaphore_mem>>
      %dma_start3A_190 = arith.constant 0 : i32
      %dma_start3A_191 = tpu.memref_slice %arg8[%run_scoped3A_25, %dma_start3A_190] : memref<4x128xi32, #tpu.memory_space<vmem>> -> memref<1x128xi32, #tpu.memory_space<vmem>>
      %dma_start3A_192 = tpu.memref_squeeze %dma_start3A_191 : memref<1x128xi32, #tpu.memory_space<vmem>> -> memref<128xi32, #tpu.memory_space<vmem>>
      %dma_start3A_193 = tpu.memref_slice %arg3[%add3A_24] : memref<16384xi32, #tpu.memory_space<hbm>> -> memref<128xi32, #tpu.memory_space<hbm>>
      %dma_start3A_194 = arith.constant 0 : i32
      %dma_start3A_195 = tpu.memref_slice %arg8[%run_scoped3A_25, %dma_start3A_194] : memref<4x128xi32, #tpu.memory_space<vmem>> -> memref<1x128xi32, #tpu.memory_space<vmem>>
      %dma_start3A_196 = tpu.memref_squeeze %dma_start3A_195 : memref<1x128xi32, #tpu.memory_space<vmem>> -> memref<128xi32, #tpu.memory_space<vmem>>
      %dma_start3A_197 = tpu.memref_slice %arg3[%add3A_24] : memref<16384xi32, #tpu.memory_space<hbm>> -> memref<128xi32, #tpu.memory_space<hbm>>
      tpu.enqueue_dma source(%dma_start3A_197 : memref<128xi32, #tpu.memory_space<hbm>>) target(%dma_start3A_196 : memref<128xi32, #tpu.memory_space<vmem>>) target_semaphore(%run_scoped3A_189 : memref<!tpu.dma_semaphore, #tpu.memory_space<semaphore_mem>>)
      %dma_wait3A_198 = arith.constant 0 : i32
      %dma_wait3A_199 = tpu.memref_slice %arg8[%run_scoped3A_25, %dma_wait3A_198] : memref<4x128xi32, #tpu.memory_space<vmem>> -> memref<1x128xi32, #tpu.memory_space<vmem>>
      %dma_wait3A_200 = tpu.memref_squeeze %dma_wait3A_199 : memref<1x128xi32, #tpu.memory_space<vmem>> -> memref<128xi32, #tpu.memory_space<vmem>>
      %dma_wait3A_201 = tpu.memref_slice %arg3[%add3A_24] : memref<16384xi32, #tpu.memory_space<hbm>> -> memref<128xi32, #tpu.memory_space<hbm>>
      %dma_wait3A_202 = arith.constant 0 : i32
      %dma_wait3A_203 = tpu.memref_slice %arg8[%run_scoped3A_25, %dma_wait3A_202] : memref<4x128xi32, #tpu.memory_space<vmem>> -> memref<1x128xi32, #tpu.memory_space<vmem>>
      %dma_wait3A_204 = tpu.memref_squeeze %dma_wait3A_203 : memref<1x128xi32, #tpu.memory_space<vmem>> -> memref<128xi32, #tpu.memory_space<vmem>>
      %dma_wait3A_205 = tpu.memref_slice %arg3[%add3A_24] : memref<16384xi32, #tpu.memory_space<hbm>> -> memref<128xi32, #tpu.memory_space<hbm>>
      tpu.wait_dma2 semaphore(%run_scoped3A_189 : memref<!tpu.dma_semaphore, #tpu.memory_space<semaphore_mem>>) src(%dma_wait3A_205 : memref<128xi32, #tpu.memory_space<hbm>>) dst(%dma_wait3A_204 : memref<128xi32, #tpu.memory_space<vmem>>)
      tpu.yield
    }) : () -> ()
    %dma_start3A = arith.constant 0 : i32
    %dma_start3A_26 = arith.constant 0 : i32
    %dma_start3A_27 = arith.constant 0 : i32
    %dma_start3A_28 = tpu.memref_slice %arg9[%dma_start3A_26, %dma_start3A_27] : memref<512x32xf32, #tpu.memory_space<vmem>> -> memref<128x32xf32, #tpu.memory_space<vmem>>
    %dma_start3A_29 = arith.constant 0 : i32
    %dma_start3A_30 = tpu.memref_slice %arg7[%dma_start3A, %dma_start3A_29] : memref<4x128xi32, #tpu.memory_space<vmem>> -> memref<1x128xi32, #tpu.memory_space<vmem>>
    %dma_start3A_31 = tpu.memref_squeeze %dma_start3A_30 : memref<1x128xi32, #tpu.memory_space<vmem>> -> memref<128xi32, #tpu.memory_space<vmem>>
    %dma_start3A_32 = arith.constant 0 : i32
    %dma_start3A_33 = arith.constant 0 : i32
    %dma_start3A_34 = tpu.memref_slice %arg4[%dma_start3A_32, %dma_start3A_33] : memref<1000000x32xf32, #tpu.memory_space<hbm>> -> memref<1000000x32xf32, #tpu.memory_space<hbm>>
    tpu.enqueue_indirect_dma source(%dma_start3A_34 : memref<1000000x32xf32, #tpu.memory_space<hbm>>) target(%dma_start3A_28 : memref<128x32xf32, #tpu.memory_space<vmem>>) offsets(%dma_start3A_31 : memref<128xi32, #tpu.memory_space<vmem>>) semaphore(%arg12 : memref<!tpu.dma_semaphore, #tpu.memory_space<semaphore_mem>>)
    %dma_start3A_35 = arith.constant 0 : i32
    %dma_start3A_36 = arith.constant 0 : i32
    %dma_start3A_37 = arith.constant 0 : i32
    %dma_start3A_38 = tpu.memref_slice %arg10[%dma_start3A_36, %dma_start3A_37] : memref<512x32xf32, #tpu.memory_space<vmem>> -> memref<128x32xf32, #tpu.memory_space<vmem>>
    %dma_start3A_39 = arith.constant 0 : i32
    %dma_start3A_40 = tpu.memref_slice %arg8[%dma_start3A_35, %dma_start3A_39] : memref<4x128xi32, #tpu.memory_space<vmem>> -> memref<1x128xi32, #tpu.memory_space<vmem>>
    %dma_start3A_41 = tpu.memref_squeeze %dma_start3A_40 : memref<1x128xi32, #tpu.memory_space<vmem>> -> memref<128xi32, #tpu.memory_space<vmem>>
    %dma_start3A_42 = arith.constant 0 : i32
    %dma_start3A_43 = arith.constant 0 : i32
    %dma_start3A_44 = tpu.memref_slice %arg5[%dma_start3A_42, %dma_start3A_43] : memref<1000000x32xf32, #tpu.memory_space<hbm>> -> memref<1000000x32xf32, #tpu.memory_space<hbm>>
    tpu.enqueue_indirect_dma source(%dma_start3A_44 : memref<1000000x32xf32, #tpu.memory_space<hbm>>) target(%dma_start3A_38 : memref<128x32xf32, #tpu.memory_space<vmem>>) offsets(%dma_start3A_41 : memref<128xi32, #tpu.memory_space<vmem>>) semaphore(%arg12 : memref<!tpu.dma_semaphore, #tpu.memory_space<semaphore_mem>>)
    %dma_start3A_45 = arith.constant 1 : i32
    %dma_start3A_46 = arith.constant 128 : i32
    %dma_start3A_47 = arith.constant 0 : i32
    %dma_start3A_48 = tpu.memref_slice %arg9[%dma_start3A_46, %dma_start3A_47] : memref<512x32xf32, #tpu.memory_space<vmem>> -> memref<128x32xf32, #tpu.memory_space<vmem>>
    %dma_start3A_49 = arith.constant 0 : i32
    %dma_start3A_50 = tpu.memref_slice %arg7[%dma_start3A_45, %dma_start3A_49] : memref<4x128xi32, #tpu.memory_space<vmem>> -> memref<1x128xi32, #tpu.memory_space<vmem>>
    %dma_start3A_51 = tpu.memref_squeeze %dma_start3A_50 : memref<1x128xi32, #tpu.memory_space<vmem>> -> memref<128xi32, #tpu.memory_space<vmem>>
    %dma_start3A_52 = arith.constant 0 : i32
    %dma_start3A_53 = arith.constant 0 : i32
    %dma_start3A_54 = tpu.memref_slice %arg4[%dma_start3A_52, %dma_start3A_53] : memref<1000000x32xf32, #tpu.memory_space<hbm>> -> memref<1000000x32xf32, #tpu.memory_space<hbm>>
    tpu.enqueue_indirect_dma source(%dma_start3A_54 : memref<1000000x32xf32, #tpu.memory_space<hbm>>) target(%dma_start3A_48 : memref<128x32xf32, #tpu.memory_space<vmem>>) offsets(%dma_start3A_51 : memref<128xi32, #tpu.memory_space<vmem>>) semaphore(%arg12 : memref<!tpu.dma_semaphore, #tpu.memory_space<semaphore_mem>>)
    %dma_start3A_55 = arith.constant 1 : i32
    %dma_start3A_56 = arith.constant 128 : i32
    %dma_start3A_57 = arith.constant 0 : i32
    %dma_start3A_58 = tpu.memref_slice %arg10[%dma_start3A_56, %dma_start3A_57] : memref<512x32xf32, #tpu.memory_space<vmem>> -> memref<128x32xf32, #tpu.memory_space<vmem>>
    %dma_start3A_59 = arith.constant 0 : i32
    %dma_start3A_60 = tpu.memref_slice %arg8[%dma_start3A_55, %dma_start3A_59] : memref<4x128xi32, #tpu.memory_space<vmem>> -> memref<1x128xi32, #tpu.memory_space<vmem>>
    %dma_start3A_61 = tpu.memref_squeeze %dma_start3A_60 : memref<1x128xi32, #tpu.memory_space<vmem>> -> memref<128xi32, #tpu.memory_space<vmem>>
    %dma_start3A_62 = arith.constant 0 : i32
    %dma_start3A_63 = arith.constant 0 : i32
    %dma_start3A_64 = tpu.memref_slice %arg5[%dma_start3A_62, %dma_start3A_63] : memref<1000000x32xf32, #tpu.memory_space<hbm>> -> memref<1000000x32xf32, #tpu.memory_space<hbm>>
    tpu.enqueue_indirect_dma source(%dma_start3A_64 : memref<1000000x32xf32, #tpu.memory_space<hbm>>) target(%dma_start3A_58 : memref<128x32xf32, #tpu.memory_space<vmem>>) offsets(%dma_start3A_61 : memref<128xi32, #tpu.memory_space<vmem>>) semaphore(%arg12 : memref<!tpu.dma_semaphore, #tpu.memory_space<semaphore_mem>>)
    %dma_start3A_65 = arith.constant 2 : i32
    %dma_start3A_66 = arith.constant 256 : i32
    %dma_start3A_67 = arith.constant 0 : i32
    %dma_start3A_68 = tpu.memref_slice %arg9[%dma_start3A_66, %dma_start3A_67] : memref<512x32xf32, #tpu.memory_space<vmem>> -> memref<128x32xf32, #tpu.memory_space<vmem>>
    %dma_start3A_69 = arith.constant 0 : i32
    %dma_start3A_70 = tpu.memref_slice %arg7[%dma_start3A_65, %dma_start3A_69] : memref<4x128xi32, #tpu.memory_space<vmem>> -> memref<1x128xi32, #tpu.memory_space<vmem>>
    %dma_start3A_71 = tpu.memref_squeeze %dma_start3A_70 : memref<1x128xi32, #tpu.memory_space<vmem>> -> memref<128xi32, #tpu.memory_space<vmem>>
    %dma_start3A_72 = arith.constant 0 : i32
    %dma_start3A_73 = arith.constant 0 : i32
    %dma_start3A_74 = tpu.memref_slice %arg4[%dma_start3A_72, %dma_start3A_73] : memref<1000000x32xf32, #tpu.memory_space<hbm>> -> memref<1000000x32xf32, #tpu.memory_space<hbm>>
    tpu.enqueue_indirect_dma source(%dma_start3A_74 : memref<1000000x32xf32, #tpu.memory_space<hbm>>) target(%dma_start3A_68 : memref<128x32xf32, #tpu.memory_space<vmem>>) offsets(%dma_start3A_71 : memref<128xi32, #tpu.memory_space<vmem>>) semaphore(%arg12 : memref<!tpu.dma_semaphore, #tpu.memory_space<semaphore_mem>>)
    %dma_start3A_75 = arith.constant 2 : i32
    %dma_start3A_76 = arith.constant 256 : i32
    %dma_start3A_77 = arith.constant 0 : i32
    %dma_start3A_78 = tpu.memref_slice %arg10[%dma_start3A_76, %dma_start3A_77] : memref<512x32xf32, #tpu.memory_space<vmem>> -> memref<128x32xf32, #tpu.memory_space<vmem>>
    %dma_start3A_79 = arith.constant 0 : i32
    %dma_start3A_80 = tpu.memref_slice %arg8[%dma_start3A_75, %dma_start3A_79] : memref<4x128xi32, #tpu.memory_space<vmem>> -> memref<1x128xi32, #tpu.memory_space<vmem>>
    %dma_start3A_81 = tpu.memref_squeeze %dma_start3A_80 : memref<1x128xi32, #tpu.memory_space<vmem>> -> memref<128xi32, #tpu.memory_space<vmem>>
    %dma_start3A_82 = arith.constant 0 : i32
    %dma_start3A_83 = arith.constant 0 : i32
    %dma_start3A_84 = tpu.memref_slice %arg5[%dma_start3A_82, %dma_start3A_83] : memref<1000000x32xf32, #tpu.memory_space<hbm>> -> memref<1000000x32xf32, #tpu.memory_space<hbm>>
    tpu.enqueue_indirect_dma source(%dma_start3A_84 : memref<1000000x32xf32, #tpu.memory_space<hbm>>) target(%dma_start3A_78 : memref<128x32xf32, #tpu.memory_space<vmem>>) offsets(%dma_start3A_81 : memref<128xi32, #tpu.memory_space<vmem>>) semaphore(%arg12 : memref<!tpu.dma_semaphore, #tpu.memory_space<semaphore_mem>>)
    %dma_start3A_85 = arith.constant 3 : i32
    %dma_start3A_86 = arith.constant 384 : i32
    %dma_start3A_87 = arith.constant 0 : i32
    %dma_start3A_88 = tpu.memref_slice %arg9[%dma_start3A_86, %dma_start3A_87] : memref<512x32xf32, #tpu.memory_space<vmem>> -> memref<128x32xf32, #tpu.memory_space<vmem>>
    %dma_start3A_89 = arith.constant 0 : i32
    %dma_start3A_90 = tpu.memref_slice %arg7[%dma_start3A_85, %dma_start3A_89] : memref<4x128xi32, #tpu.memory_space<vmem>> -> memref<1x128xi32, #tpu.memory_space<vmem>>
    %dma_start3A_91 = tpu.memref_squeeze %dma_start3A_90 : memref<1x128xi32, #tpu.memory_space<vmem>> -> memref<128xi32, #tpu.memory_space<vmem>>
    %dma_start3A_92 = arith.constant 0 : i32
    %dma_start3A_93 = arith.constant 0 : i32
    %dma_start3A_94 = tpu.memref_slice %arg4[%dma_start3A_92, %dma_start3A_93] : memref<1000000x32xf32, #tpu.memory_space<hbm>> -> memref<1000000x32xf32, #tpu.memory_space<hbm>>
    tpu.enqueue_indirect_dma source(%dma_start3A_94 : memref<1000000x32xf32, #tpu.memory_space<hbm>>) target(%dma_start3A_88 : memref<128x32xf32, #tpu.memory_space<vmem>>) offsets(%dma_start3A_91 : memref<128xi32, #tpu.memory_space<vmem>>) semaphore(%arg12 : memref<!tpu.dma_semaphore, #tpu.memory_space<semaphore_mem>>)
    %dma_start3A_95 = arith.constant 3 : i32
    %dma_start3A_96 = arith.constant 384 : i32
    %dma_start3A_97 = arith.constant 0 : i32
    %dma_start3A_98 = tpu.memref_slice %arg10[%dma_start3A_96, %dma_start3A_97] : memref<512x32xf32, #tpu.memory_space<vmem>> -> memref<128x32xf32, #tpu.memory_space<vmem>>
    %dma_start3A_99 = arith.constant 0 : i32
    %dma_start3A_100 = tpu.memref_slice %arg8[%dma_start3A_95, %dma_start3A_99] : memref<4x128xi32, #tpu.memory_space<vmem>> -> memref<1x128xi32, #tpu.memory_space<vmem>>
    %dma_start3A_101 = tpu.memref_squeeze %dma_start3A_100 : memref<1x128xi32, #tpu.memory_space<vmem>> -> memref<128xi32, #tpu.memory_space<vmem>>
    %dma_start3A_102 = arith.constant 0 : i32
    %dma_start3A_103 = arith.constant 0 : i32
    %dma_start3A_104 = tpu.memref_slice %arg5[%dma_start3A_102, %dma_start3A_103] : memref<1000000x32xf32, #tpu.memory_space<hbm>> -> memref<1000000x32xf32, #tpu.memory_space<hbm>>
    tpu.enqueue_indirect_dma source(%dma_start3A_104 : memref<1000000x32xf32, #tpu.memory_space<hbm>>) target(%dma_start3A_98 : memref<128x32xf32, #tpu.memory_space<vmem>>) offsets(%dma_start3A_101 : memref<128xi32, #tpu.memory_space<vmem>>) semaphore(%arg12 : memref<!tpu.dma_semaphore, #tpu.memory_space<semaphore_mem>>)
    %dma_wait3A = arith.constant 0 : i32
    %dma_wait3A_105 = arith.constant 0 : i32
    %dma_wait3A_106 = arith.constant 0 : i32
    %dma_wait3A_107 = tpu.memref_slice %arg9[%dma_wait3A_105, %dma_wait3A_106] : memref<512x32xf32, #tpu.memory_space<vmem>> -> memref<128x32xf32, #tpu.memory_space<vmem>>
    %dma_wait3A_108 = arith.constant 0 : i32
    %dma_wait3A_109 = tpu.memref_slice %arg7[%dma_wait3A, %dma_wait3A_108] : memref<4x128xi32, #tpu.memory_space<vmem>> -> memref<1x128xi32, #tpu.memory_space<vmem>>
    %dma_wait3A_110 = tpu.memref_squeeze %dma_wait3A_109 : memref<1x128xi32, #tpu.memory_space<vmem>> -> memref<128xi32, #tpu.memory_space<vmem>>
    %dma_wait3A_111 = arith.constant 0 : i32
    %dma_wait3A_112 = arith.constant 0 : i32
    %dma_wait3A_113 = tpu.memref_slice %arg4[%dma_wait3A_111, %dma_wait3A_112] : memref<1000000x32xf32, #tpu.memory_space<hbm>> -> memref<1000000x32xf32, #tpu.memory_space<hbm>>
    tpu.wait_indirect_dma semaphore(%arg12 : memref<!tpu.dma_semaphore, #tpu.memory_space<semaphore_mem>>) src(%dma_wait3A_113 : memref<1000000x32xf32, #tpu.memory_space<hbm>>) dst(%dma_wait3A_107 : memref<128x32xf32, #tpu.memory_space<vmem>>)
    %dma_wait3A_114 = arith.constant 0 : i32
    %dma_wait3A_115 = arith.constant 0 : i32
    %dma_wait3A_116 = arith.constant 0 : i32
    %dma_wait3A_117 = tpu.memref_slice %arg10[%dma_wait3A_115, %dma_wait3A_116] : memref<512x32xf32, #tpu.memory_space<vmem>> -> memref<128x32xf32, #tpu.memory_space<vmem>>
    %dma_wait3A_118 = arith.constant 0 : i32
    %dma_wait3A_119 = tpu.memref_slice %arg8[%dma_wait3A_114, %dma_wait3A_118] : memref<4x128xi32, #tpu.memory_space<vmem>> -> memref<1x128xi32, #tpu.memory_space<vmem>>
    %dma_wait3A_120 = tpu.memref_squeeze %dma_wait3A_119 : memref<1x128xi32, #tpu.memory_space<vmem>> -> memref<128xi32, #tpu.memory_space<vmem>>
    %dma_wait3A_121 = arith.constant 0 : i32
    %dma_wait3A_122 = arith.constant 0 : i32
    %dma_wait3A_123 = tpu.memref_slice %arg5[%dma_wait3A_121, %dma_wait3A_122] : memref<1000000x32xf32, #tpu.memory_space<hbm>> -> memref<1000000x32xf32, #tpu.memory_space<hbm>>
    tpu.wait_indirect_dma semaphore(%arg12 : memref<!tpu.dma_semaphore, #tpu.memory_space<semaphore_mem>>) src(%dma_wait3A_123 : memref<1000000x32xf32, #tpu.memory_space<hbm>>) dst(%dma_wait3A_117 : memref<128x32xf32, #tpu.memory_space<vmem>>)
    %dma_wait3A_124 = arith.constant 1 : i32
    %dma_wait3A_125 = arith.constant 128 : i32
    %dma_wait3A_126 = arith.constant 0 : i32
    %dma_wait3A_127 = tpu.memref_slice %arg9[%dma_wait3A_125, %dma_wait3A_126] : memref<512x32xf32, #tpu.memory_space<vmem>> -> memref<128x32xf32, #tpu.memory_space<vmem>>
    %dma_wait3A_128 = arith.constant 0 : i32
    %dma_wait3A_129 = tpu.memref_slice %arg7[%dma_wait3A_124, %dma_wait3A_128] : memref<4x128xi32, #tpu.memory_space<vmem>> -> memref<1x128xi32, #tpu.memory_space<vmem>>
    %dma_wait3A_130 = tpu.memref_squeeze %dma_wait3A_129 : memref<1x128xi32, #tpu.memory_space<vmem>> -> memref<128xi32, #tpu.memory_space<vmem>>
    %dma_wait3A_131 = arith.constant 0 : i32
    %dma_wait3A_132 = arith.constant 0 : i32
    %dma_wait3A_133 = tpu.memref_slice %arg4[%dma_wait3A_131, %dma_wait3A_132] : memref<1000000x32xf32, #tpu.memory_space<hbm>> -> memref<1000000x32xf32, #tpu.memory_space<hbm>>
    tpu.wait_indirect_dma semaphore(%arg12 : memref<!tpu.dma_semaphore, #tpu.memory_space<semaphore_mem>>) src(%dma_wait3A_133 : memref<1000000x32xf32, #tpu.memory_space<hbm>>) dst(%dma_wait3A_127 : memref<128x32xf32, #tpu.memory_space<vmem>>)
    %dma_wait3A_134 = arith.constant 1 : i32
    %dma_wait3A_135 = arith.constant 128 : i32
    %dma_wait3A_136 = arith.constant 0 : i32
    %dma_wait3A_137 = tpu.memref_slice %arg10[%dma_wait3A_135, %dma_wait3A_136] : memref<512x32xf32, #tpu.memory_space<vmem>> -> memref<128x32xf32, #tpu.memory_space<vmem>>
    %dma_wait3A_138 = arith.constant 0 : i32
    %dma_wait3A_139 = tpu.memref_slice %arg8[%dma_wait3A_134, %dma_wait3A_138] : memref<4x128xi32, #tpu.memory_space<vmem>> -> memref<1x128xi32, #tpu.memory_space<vmem>>
    %dma_wait3A_140 = tpu.memref_squeeze %dma_wait3A_139 : memref<1x128xi32, #tpu.memory_space<vmem>> -> memref<128xi32, #tpu.memory_space<vmem>>
    %dma_wait3A_141 = arith.constant 0 : i32
    %dma_wait3A_142 = arith.constant 0 : i32
    %dma_wait3A_143 = tpu.memref_slice %arg5[%dma_wait3A_141, %dma_wait3A_142] : memref<1000000x32xf32, #tpu.memory_space<hbm>> -> memref<1000000x32xf32, #tpu.memory_space<hbm>>
    tpu.wait_indirect_dma semaphore(%arg12 : memref<!tpu.dma_semaphore, #tpu.memory_space<semaphore_mem>>) src(%dma_wait3A_143 : memref<1000000x32xf32, #tpu.memory_space<hbm>>) dst(%dma_wait3A_137 : memref<128x32xf32, #tpu.memory_space<vmem>>)
    %dma_wait3A_144 = arith.constant 2 : i32
    %dma_wait3A_145 = arith.constant 256 : i32
    %dma_wait3A_146 = arith.constant 0 : i32
    %dma_wait3A_147 = tpu.memref_slice %arg9[%dma_wait3A_145, %dma_wait3A_146] : memref<512x32xf32, #tpu.memory_space<vmem>> -> memref<128x32xf32, #tpu.memory_space<vmem>>
    %dma_wait3A_148 = arith.constant 0 : i32
    %dma_wait3A_149 = tpu.memref_slice %arg7[%dma_wait3A_144, %dma_wait3A_148] : memref<4x128xi32, #tpu.memory_space<vmem>> -> memref<1x128xi32, #tpu.memory_space<vmem>>
    %dma_wait3A_150 = tpu.memref_squeeze %dma_wait3A_149 : memref<1x128xi32, #tpu.memory_space<vmem>> -> memref<128xi32, #tpu.memory_space<vmem>>
    %dma_wait3A_151 = arith.constant 0 : i32
    %dma_wait3A_152 = arith.constant 0 : i32
    %dma_wait3A_153 = tpu.memref_slice %arg4[%dma_wait3A_151, %dma_wait3A_152] : memref<1000000x32xf32, #tpu.memory_space<hbm>> -> memref<1000000x32xf32, #tpu.memory_space<hbm>>
    tpu.wait_indirect_dma semaphore(%arg12 : memref<!tpu.dma_semaphore, #tpu.memory_space<semaphore_mem>>) src(%dma_wait3A_153 : memref<1000000x32xf32, #tpu.memory_space<hbm>>) dst(%dma_wait3A_147 : memref<128x32xf32, #tpu.memory_space<vmem>>)
    %dma_wait3A_154 = arith.constant 2 : i32
    %dma_wait3A_155 = arith.constant 256 : i32
    %dma_wait3A_156 = arith.constant 0 : i32
    %dma_wait3A_157 = tpu.memref_slice %arg10[%dma_wait3A_155, %dma_wait3A_156] : memref<512x32xf32, #tpu.memory_space<vmem>> -> memref<128x32xf32, #tpu.memory_space<vmem>>
    %dma_wait3A_158 = arith.constant 0 : i32
    %dma_wait3A_159 = tpu.memref_slice %arg8[%dma_wait3A_154, %dma_wait3A_158] : memref<4x128xi32, #tpu.memory_space<vmem>> -> memref<1x128xi32, #tpu.memory_space<vmem>>
    %dma_wait3A_160 = tpu.memref_squeeze %dma_wait3A_159 : memref<1x128xi32, #tpu.memory_space<vmem>> -> memref<128xi32, #tpu.memory_space<vmem>>
    %dma_wait3A_161 = arith.constant 0 : i32
    %dma_wait3A_162 = arith.constant 0 : i32
    %dma_wait3A_163 = tpu.memref_slice %arg5[%dma_wait3A_161, %dma_wait3A_162] : memref<1000000x32xf32, #tpu.memory_space<hbm>> -> memref<1000000x32xf32, #tpu.memory_space<hbm>>
    tpu.wait_indirect_dma semaphore(%arg12 : memref<!tpu.dma_semaphore, #tpu.memory_space<semaphore_mem>>) src(%dma_wait3A_163 : memref<1000000x32xf32, #tpu.memory_space<hbm>>) dst(%dma_wait3A_157 : memref<128x32xf32, #tpu.memory_space<vmem>>)
    %dma_wait3A_164 = arith.constant 3 : i32
    %dma_wait3A_165 = arith.constant 384 : i32
    %dma_wait3A_166 = arith.constant 0 : i32
    %dma_wait3A_167 = tpu.memref_slice %arg9[%dma_wait3A_165, %dma_wait3A_166] : memref<512x32xf32, #tpu.memory_space<vmem>> -> memref<128x32xf32, #tpu.memory_space<vmem>>
    %dma_wait3A_168 = arith.constant 0 : i32
    %dma_wait3A_169 = tpu.memref_slice %arg7[%dma_wait3A_164, %dma_wait3A_168] : memref<4x128xi32, #tpu.memory_space<vmem>> -> memref<1x128xi32, #tpu.memory_space<vmem>>
    %dma_wait3A_170 = tpu.memref_squeeze %dma_wait3A_169 : memref<1x128xi32, #tpu.memory_space<vmem>> -> memref<128xi32, #tpu.memory_space<vmem>>
    %dma_wait3A_171 = arith.constant 0 : i32
    %dma_wait3A_172 = arith.constant 0 : i32
    %dma_wait3A_173 = tpu.memref_slice %arg4[%dma_wait3A_171, %dma_wait3A_172] : memref<1000000x32xf32, #tpu.memory_space<hbm>> -> memref<1000000x32xf32, #tpu.memory_space<hbm>>
    tpu.wait_indirect_dma semaphore(%arg12 : memref<!tpu.dma_semaphore, #tpu.memory_space<semaphore_mem>>) src(%dma_wait3A_173 : memref<1000000x32xf32, #tpu.memory_space<hbm>>) dst(%dma_wait3A_167 : memref<128x32xf32, #tpu.memory_space<vmem>>)
    %dma_wait3A_174 = arith.constant 3 : i32
    %dma_wait3A_175 = arith.constant 384 : i32
    %dma_wait3A_176 = arith.constant 0 : i32
    %dma_wait3A_177 = tpu.memref_slice %arg10[%dma_wait3A_175, %dma_wait3A_176] : memref<512x32xf32, #tpu.memory_space<vmem>> -> memref<128x32xf32, #tpu.memory_space<vmem>>
    %dma_wait3A_178 = arith.constant 0 : i32
    %dma_wait3A_179 = tpu.memref_slice %arg8[%dma_wait3A_174, %dma_wait3A_178] : memref<4x128xi32, #tpu.memory_space<vmem>> -> memref<1x128xi32, #tpu.memory_space<vmem>>
    %dma_wait3A_180 = tpu.memref_squeeze %dma_wait3A_179 : memref<1x128xi32, #tpu.memory_space<vmem>> -> memref<128xi32, #tpu.memory_space<vmem>>
    %dma_wait3A_181 = arith.constant 0 : i32
    %dma_wait3A_182 = arith.constant 0 : i32
    %dma_wait3A_183 = tpu.memref_slice %arg5[%dma_wait3A_181, %dma_wait3A_182] : memref<1000000x32xf32, #tpu.memory_space<hbm>> -> memref<1000000x32xf32, #tpu.memory_space<hbm>>
    tpu.wait_indirect_dma semaphore(%arg12 : memref<!tpu.dma_semaphore, #tpu.memory_space<semaphore_mem>>) src(%dma_wait3A_183 : memref<1000000x32xf32, #tpu.memory_space<hbm>>) dst(%dma_wait3A_177 : memref<128x32xf32, #tpu.memory_space<vmem>>)
    %iota3A = tpu.iota {dimensions = array<i32: 0>} : vector<16xi32>
    %scan3A = arith.constant 0 : i32
    %scan3A_184 = arith.constant 0 : i32
    %scan3A_185 = arith.constant 32 : i32
    %scan3A_186 = arith.addi %scan3A_184, %scan3A_185 : i32
    %scan3A_187 = arith.constant 1 : i32
    scf.for %scan3A_189 = %scan3A_184 to %scan3A_186 step %scan3A_187  : i32 {
      %mul3A_190 = arith.constant 16 : i32
      %mul3A_191 = arith.muli %scan3A_189, %mul3A_190 : i32
      %add3A_192 = vector.broadcast %mul3A_191 : i32 to vector<16xi32>
      %add3A_193 = arith.addi %add3A_192, %iota3A : vector<16xi32>
      %broadcast_in_dim3A = arith.constant 0.000000e+00 : f32
      %broadcast_in_dim3A_194 = vector.broadcast %broadcast_in_dim3A : f32 to vector<16xf32>
      %broadcast_in_dim3A_195 = arith.constant 0 : i32
      %broadcast_in_dim3A_196 = vector.broadcast %broadcast_in_dim3A_195 : i32 to vector<16xi32>
      %gather3A = tpu.vector_load_idx %arg9[%add3A_193, %broadcast_in_dim3A_196] : memref<512x32xf32, #tpu.memory_space<vmem>>[vector<16xi32>, vector<16xi32>], vector<16xf32>,
      %gather3A_197 = tpu.vector_load_idx %arg10[%add3A_193, %broadcast_in_dim3A_196] : memref<512x32xf32, #tpu.memory_space<vmem>>[vector<16xi32>, vector<16xi32>], vector<16xf32>,
      %mul3A_198 = arith.mulf %gather3A, %gather3A_197 : vector<16xf32>
      %add3A_199 = arith.addf %broadcast_in_dim3A_194, %mul3A_198 : vector<16xf32>
      %broadcast_in_dim3A_200 = arith.constant 1 : i32
      %broadcast_in_dim3A_201 = vector.broadcast %broadcast_in_dim3A_200 : i32 to vector<16xi32>
      %gather3A_202 = tpu.vector_load_idx %arg9[%add3A_193, %broadcast_in_dim3A_201] : memref<512x32xf32, #tpu.memory_space<vmem>>[vector<16xi32>, vector<16xi32>], vector<16xf32>,
      %gather3A_203 = tpu.vector_load_idx %arg10[%add3A_193, %broadcast_in_dim3A_201] : memref<512x32xf32, #tpu.memory_space<vmem>>[vector<16xi32>, vector<16xi32>], vector<16xf32>,
      %mul3A_204 = arith.mulf %gather3A_202, %gather3A_203 : vector<16xf32>
      %add3A_205 = arith.addf %add3A_199, %mul3A_204 : vector<16xf32>
      %broadcast_in_dim3A_206 = arith.constant 2 : i32
      %broadcast_in_dim3A_207 = vector.broadcast %broadcast_in_dim3A_206 : i32 to vector<16xi32>
      %gather3A_208 = tpu.vector_load_idx %arg9[%add3A_193, %broadcast_in_dim3A_207] : memref<512x32xf32, #tpu.memory_space<vmem>>[vector<16xi32>, vector<16xi32>], vector<16xf32>,
      %gather3A_209 = tpu.vector_load_idx %arg10[%add3A_193, %broadcast_in_dim3A_207] : memref<512x32xf32, #tpu.memory_space<vmem>>[vector<16xi32>, vector<16xi32>], vector<16xf32>,
      %mul3A_210 = arith.mulf %gather3A_208, %gather3A_209 : vector<16xf32>
      %add3A_211 = arith.addf %add3A_205, %mul3A_210 : vector<16xf32>
      %broadcast_in_dim3A_212 = arith.constant 3 : i32
      %broadcast_in_dim3A_213 = vector.broadcast %broadcast_in_dim3A_212 : i32 to vector<16xi32>
      %gather3A_214 = tpu.vector_load_idx %arg9[%add3A_193, %broadcast_in_dim3A_213] : memref<512x32xf32, #tpu.memory_space<vmem>>[vector<16xi32>, vector<16xi32>], vector<16xf32>,
      %gather3A_215 = tpu.vector_load_idx %arg10[%add3A_193, %broadcast_in_dim3A_213] : memref<512x32xf32, #tpu.memory_space<vmem>>[vector<16xi32>, vector<16xi32>], vector<16xf32>,
      %mul3A_216 = arith.mulf %gather3A_214, %gather3A_215 : vector<16xf32>
      %add3A_217 = arith.addf %add3A_211, %mul3A_216 : vector<16xf32>
      %broadcast_in_dim3A_218 = arith.constant 4 : i32
      %broadcast_in_dim3A_219 = vector.broadcast %broadcast_in_dim3A_218 : i32 to vector<16xi32>
      %gather3A_220 = tpu.vector_load_idx %arg9[%add3A_193, %broadcast_in_dim3A_219] : memref<512x32xf32, #tpu.memory_space<vmem>>[vector<16xi32>, vector<16xi32>], vector<16xf32>,
      %gather3A_221 = tpu.vector_load_idx %arg10[%add3A_193, %broadcast_in_dim3A_219] : memref<512x32xf32, #tpu.memory_space<vmem>>[vector<16xi32>, vector<16xi32>], vector<16xf32>,
      %mul3A_222 = arith.mulf %gather3A_220, %gather3A_221 : vector<16xf32>
      %add3A_223 = arith.addf %add3A_217, %mul3A_222 : vector<16xf32>
      %broadcast_in_dim3A_224 = arith.constant 5 : i32
      %broadcast_in_dim3A_225 = vector.broadcast %broadcast_in_dim3A_224 : i32 to vector<16xi32>
      %gather3A_226 = tpu.vector_load_idx %arg9[%add3A_193, %broadcast_in_dim3A_225] : memref<512x32xf32, #tpu.memory_space<vmem>>[vector<16xi32>, vector<16xi32>], vector<16xf32>,
      %gather3A_227 = tpu.vector_load_idx %arg10[%add3A_193, %broadcast_in_dim3A_225] : memref<512x32xf32, #tpu.memory_space<vmem>>[vector<16xi32>, vector<16xi32>], vector<16xf32>,
      %mul3A_228 = arith.mulf %gather3A_226, %gather3A_227 : vector<16xf32>
      %add3A_229 = arith.addf %add3A_223, %mul3A_228 : vector<16xf32>
      %broadcast_in_dim3A_230 = arith.constant 6 : i32
      %broadcast_in_dim3A_231 = vector.broadcast %broadcast_in_dim3A_230 : i32 to vector<16xi32>
      %gather3A_232 = tpu.vector_load_idx %arg9[%add3A_193, %broadcast_in_dim3A_231] : memref<512x32xf32, #tpu.memory_space<vmem>>[vector<16xi32>, vector<16xi32>], vector<16xf32>,
      %gather3A_233 = tpu.vector_load_idx %arg10[%add3A_193, %broadcast_in_dim3A_231] : memref<512x32xf32, #tpu.memory_space<vmem>>[vector<16xi32>, vector<16xi32>], vector<16xf32>,
      %mul3A_234 = arith.mulf %gather3A_232, %gather3A_233 : vector<16xf32>
      %add3A_235 = arith.addf %add3A_229, %mul3A_234 : vector<16xf32>
      %broadcast_in_dim3A_236 = arith.constant 7 : i32
      %broadcast_in_dim3A_237 = vector.broadcast %broadcast_in_dim3A_236 : i32 to vector<16xi32>
      %gather3A_238 = tpu.vector_load_idx %arg9[%add3A_193, %broadcast_in_dim3A_237] : memref<512x32xf32, #tpu.memory_space<vmem>>[vector<16xi32>, vector<16xi32>], vector<16xf32>,
      %gather3A_239 = tpu.vector_load_idx %arg10[%add3A_193, %broadcast_in_dim3A_237] : memref<512x32xf32, #tpu.memory_space<vmem>>[vector<16xi32>, vector<16xi32>], vector<16xf32>,
      %mul3A_240 = arith.mulf %gather3A_238, %gather3A_239 : vector<16xf32>
      %add3A_241 = arith.addf %add3A_235, %mul3A_240 : vector<16xf32>
      %broadcast_in_dim3A_242 = arith.constant 8 : i32
      %broadcast_in_dim3A_243 = vector.broadcast %broadcast_in_dim3A_242 : i32 to vector<16xi32>
      %gather3A_244 = tpu.vector_load_idx %arg9[%add3A_193, %broadcast_in_dim3A_243] : memref<512x32xf32, #tpu.memory_space<vmem>>[vector<16xi32>, vector<16xi32>], vector<16xf32>,
      %gather3A_245 = tpu.vector_load_idx %arg10[%add3A_193, %broadcast_in_dim3A_243] : memref<512x32xf32, #tpu.memory_space<vmem>>[vector<16xi32>, vector<16xi32>], vector<16xf32>,
      %mul3A_246 = arith.mulf %gather3A_244, %gather3A_245 : vector<16xf32>
      %add3A_247 = arith.addf %add3A_241, %mul3A_246 : vector<16xf32>
      %broadcast_in_dim3A_248 = arith.constant 9 : i32
      %broadcast_in_dim3A_249 = vector.broadcast %broadcast_in_dim3A_248 : i32 to vector<16xi32>
      %gather3A_250 = tpu.vector_load_idx %arg9[%add3A_193, %broadcast_in_dim3A_249] : memref<512x32xf32, #tpu.memory_space<vmem>>[vector<16xi32>, vector<16xi32>], vector<16xf32>,
      %gather3A_251 = tpu.vector_load_idx %arg10[%add3A_193, %broadcast_in_dim3A_249] : memref<512x32xf32, #tpu.memory_space<vmem>>[vector<16xi32>, vector<16xi32>], vector<16xf32>,
      %mul3A_252 = arith.mulf %gather3A_250, %gather3A_251 : vector<16xf32>
      %add3A_253 = arith.addf %add3A_247, %mul3A_252 : vector<16xf32>
      %broadcast_in_dim3A_254 = arith.constant 10 : i32
      %broadcast_in_dim3A_255 = vector.broadcast %broadcast_in_dim3A_254 : i32 to vector<16xi32>
      %gather3A_256 = tpu.vector_load_idx %arg9[%add3A_193, %broadcast_in_dim3A_255] : memref<512x32xf32, #tpu.memory_space<vmem>>[vector<16xi32>, vector<16xi32>], vector<16xf32>,
      %gather3A_257 = tpu.vector_load_idx %arg10[%add3A_193, %broadcast_in_dim3A_255] : memref<512x32xf32, #tpu.memory_space<vmem>>[vector<16xi32>, vector<16xi32>], vector<16xf32>,
      %mul3A_258 = arith.mulf %gather3A_256, %gather3A_257 : vector<16xf32>
      %add3A_259 = arith.addf %add3A_253, %mul3A_258 : vector<16xf32>
      %broadcast_in_dim3A_260 = arith.constant 11 : i32
      %broadcast_in_dim3A_261 = vector.broadcast %broadcast_in_dim3A_260 : i32 to vector<16xi32>
      %gather3A_262 = tpu.vector_load_idx %arg9[%add3A_193, %broadcast_in_dim3A_261] : memref<512x32xf32, #tpu.memory_space<vmem>>[vector<16xi32>, vector<16xi32>], vector<16xf32>,
      %gather3A_263 = tpu.vector_load_idx %arg10[%add3A_193, %broadcast_in_dim3A_261] : memref<512x32xf32, #tpu.memory_space<vmem>>[vector<16xi32>, vector<16xi32>], vector<16xf32>,
      %mul3A_264 = arith.mulf %gather3A_262, %gather3A_263 : vector<16xf32>
      %add3A_265 = arith.addf %add3A_259, %mul3A_264 : vector<16xf32>
      %broadcast_in_dim3A_266 = arith.constant 12 : i32
      %broadcast_in_dim3A_267 = vector.broadcast %broadcast_in_dim3A_266 : i32 to vector<16xi32>
      %gather3A_268 = tpu.vector_load_idx %arg9[%add3A_193, %broadcast_in_dim3A_267] : memref<512x32xf32, #tpu.memory_space<vmem>>[vector<16xi32>, vector<16xi32>], vector<16xf32>,
      %gather3A_269 = tpu.vector_load_idx %arg10[%add3A_193, %broadcast_in_dim3A_267] : memref<512x32xf32, #tpu.memory_space<vmem>>[vector<16xi32>, vector<16xi32>], vector<16xf32>,
      %mul3A_270 = arith.mulf %gather3A_268, %gather3A_269 : vector<16xf32>
      %add3A_271 = arith.addf %add3A_265, %mul3A_270 : vector<16xf32>
      %broadcast_in_dim3A_272 = arith.constant 13 : i32
      %broadcast_in_dim3A_273 = vector.broadcast %broadcast_in_dim3A_272 : i32 to vector<16xi32>
      %gather3A_274 = tpu.vector_load_idx %arg9[%add3A_193, %broadcast_in_dim3A_273] : memref<512x32xf32, #tpu.memory_space<vmem>>[vector<16xi32>, vector<16xi32>], vector<16xf32>,
      %gather3A_275 = tpu.vector_load_idx %arg10[%add3A_193, %broadcast_in_dim3A_273] : memref<512x32xf32, #tpu.memory_space<vmem>>[vector<16xi32>, vector<16xi32>], vector<16xf32>,
      %mul3A_276 = arith.mulf %gather3A_274, %gather3A_275 : vector<16xf32>
      %add3A_277 = arith.addf %add3A_271, %mul3A_276 : vector<16xf32>
      %broadcast_in_dim3A_278 = arith.constant 14 : i32
      %broadcast_in_dim3A_279 = vector.broadcast %broadcast_in_dim3A_278 : i32 to vector<16xi32>
      %gather3A_280 = tpu.vector_load_idx %arg9[%add3A_193, %broadcast_in_dim3A_279] : memref<512x32xf32, #tpu.memory_space<vmem>>[vector<16xi32>, vector<16xi32>], vector<16xf32>,
      %gather3A_281 = tpu.vector_load_idx %arg10[%add3A_193, %broadcast_in_dim3A_279] : memref<512x32xf32, #tpu.memory_space<vmem>>[vector<16xi32>, vector<16xi32>], vector<16xf32>,
      %mul3A_282 = arith.mulf %gather3A_280, %gather3A_281 : vector<16xf32>
      %add3A_283 = arith.addf %add3A_277, %mul3A_282 : vector<16xf32>
      %broadcast_in_dim3A_284 = arith.constant 15 : i32
      %broadcast_in_dim3A_285 = vector.broadcast %broadcast_in_dim3A_284 : i32 to vector<16xi32>
      %gather3A_286 = tpu.vector_load_idx %arg9[%add3A_193, %broadcast_in_dim3A_285] : memref<512x32xf32, #tpu.memory_space<vmem>>[vector<16xi32>, vector<16xi32>], vector<16xf32>,
      %gather3A_287 = tpu.vector_load_idx %arg10[%add3A_193, %broadcast_in_dim3A_285] : memref<512x32xf32, #tpu.memory_space<vmem>>[vector<16xi32>, vector<16xi32>], vector<16xf32>,
      %mul3A_288 = arith.mulf %gather3A_286, %gather3A_287 : vector<16xf32>
      %add3A_289 = arith.addf %add3A_283, %mul3A_288 : vector<16xf32>
      %broadcast_in_dim3A_290 = arith.constant 16 : i32
      %broadcast_in_dim3A_291 = vector.broadcast %broadcast_in_dim3A_290 : i32 to vector<16xi32>
      %gather3A_292 = tpu.vector_load_idx %arg9[%add3A_193, %broadcast_in_dim3A_291] : memref<512x32xf32, #tpu.memory_space<vmem>>[vector<16xi32>, vector<16xi32>], vector<16xf32>,
      %gather3A_293 = tpu.vector_load_idx %arg10[%add3A_193, %broadcast_in_dim3A_291] : memref<512x32xf32, #tpu.memory_space<vmem>>[vector<16xi32>, vector<16xi32>], vector<16xf32>,
      %mul3A_294 = arith.mulf %gather3A_292, %gather3A_293 : vector<16xf32>
      %add3A_295 = arith.addf %add3A_289, %mul3A_294 : vector<16xf32>
      %broadcast_in_dim3A_296 = arith.constant 17 : i32
      %broadcast_in_dim3A_297 = vector.broadcast %broadcast_in_dim3A_296 : i32 to vector<16xi32>
      %gather3A_298 = tpu.vector_load_idx %arg9[%add3A_193, %broadcast_in_dim3A_297] : memref<512x32xf32, #tpu.memory_space<vmem>>[vector<16xi32>, vector<16xi32>], vector<16xf32>,
      %gather3A_299 = tpu.vector_load_idx %arg10[%add3A_193, %broadcast_in_dim3A_297] : memref<512x32xf32, #tpu.memory_space<vmem>>[vector<16xi32>, vector<16xi32>], vector<16xf32>,
      %mul3A_300 = arith.mulf %gather3A_298, %gather3A_299 : vector<16xf32>
      %add3A_301 = arith.addf %add3A_295, %mul3A_300 : vector<16xf32>
      %broadcast_in_dim3A_302 = arith.constant 18 : i32
      %broadcast_in_dim3A_303 = vector.broadcast %broadcast_in_dim3A_302 : i32 to vector<16xi32>
      %gather3A_304 = tpu.vector_load_idx %arg9[%add3A_193, %broadcast_in_dim3A_303] : memref<512x32xf32, #tpu.memory_space<vmem>>[vector<16xi32>, vector<16xi32>], vector<16xf32>,
      %gather3A_305 = tpu.vector_load_idx %arg10[%add3A_193, %broadcast_in_dim3A_303] : memref<512x32xf32, #tpu.memory_space<vmem>>[vector<16xi32>, vector<16xi32>], vector<16xf32>,
      %mul3A_306 = arith.mulf %gather3A_304, %gather3A_305 : vector<16xf32>
      %add3A_307 = arith.addf %add3A_301, %mul3A_306 : vector<16xf32>
      %broadcast_in_dim3A_308 = arith.constant 19 : i32
      %broadcast_in_dim3A_309 = vector.broadcast %broadcast_in_dim3A_308 : i32 to vector<16xi32>
      %gather3A_310 = tpu.vector_load_idx %arg9[%add3A_193, %broadcast_in_dim3A_309] : memref<512x32xf32, #tpu.memory_space<vmem>>[vector<16xi32>, vector<16xi32>], vector<16xf32>,
      %gather3A_311 = tpu.vector_load_idx %arg10[%add3A_193, %broadcast_in_dim3A_309] : memref<512x32xf32, #tpu.memory_space<vmem>>[vector<16xi32>, vector<16xi32>], vector<16xf32>,
      %mul3A_312 = arith.mulf %gather3A_310, %gather3A_311 : vector<16xf32>
      %add3A_313 = arith.addf %add3A_307, %mul3A_312 : vector<16xf32>
      %broadcast_in_dim3A_314 = arith.constant 20 : i32
      %broadcast_in_dim3A_315 = vector.broadcast %broadcast_in_dim3A_314 : i32 to vector<16xi32>
      %gather3A_316 = tpu.vector_load_idx %arg9[%add3A_193, %broadcast_in_dim3A_315] : memref<512x32xf32, #tpu.memory_space<vmem>>[vector<16xi32>, vector<16xi32>], vector<16xf32>,
      %gather3A_317 = tpu.vector_load_idx %arg10[%add3A_193, %broadcast_in_dim3A_315] : memref<512x32xf32, #tpu.memory_space<vmem>>[vector<16xi32>, vector<16xi32>], vector<16xf32>,
      %mul3A_318 = arith.mulf %gather3A_316, %gather3A_317 : vector<16xf32>
      %add3A_319 = arith.addf %add3A_313, %mul3A_318 : vector<16xf32>
      %broadcast_in_dim3A_320 = arith.constant 21 : i32
      %broadcast_in_dim3A_321 = vector.broadcast %broadcast_in_dim3A_320 : i32 to vector<16xi32>
      %gather3A_322 = tpu.vector_load_idx %arg9[%add3A_193, %broadcast_in_dim3A_321] : memref<512x32xf32, #tpu.memory_space<vmem>>[vector<16xi32>, vector<16xi32>], vector<16xf32>,
      %gather3A_323 = tpu.vector_load_idx %arg10[%add3A_193, %broadcast_in_dim3A_321] : memref<512x32xf32, #tpu.memory_space<vmem>>[vector<16xi32>, vector<16xi32>], vector<16xf32>,
      %mul3A_324 = arith.mulf %gather3A_322, %gather3A_323 : vector<16xf32>
      %add3A_325 = arith.addf %add3A_319, %mul3A_324 : vector<16xf32>
      %broadcast_in_dim3A_326 = arith.constant 22 : i32
      %broadcast_in_dim3A_327 = vector.broadcast %broadcast_in_dim3A_326 : i32 to vector<16xi32>
      %gather3A_328 = tpu.vector_load_idx %arg9[%add3A_193, %broadcast_in_dim3A_327] : memref<512x32xf32, #tpu.memory_space<vmem>>[vector<16xi32>, vector<16xi32>], vector<16xf32>,
      %gather3A_329 = tpu.vector_load_idx %arg10[%add3A_193, %broadcast_in_dim3A_327] : memref<512x32xf32, #tpu.memory_space<vmem>>[vector<16xi32>, vector<16xi32>], vector<16xf32>,
      %mul3A_330 = arith.mulf %gather3A_328, %gather3A_329 : vector<16xf32>
      %add3A_331 = arith.addf %add3A_325, %mul3A_330 : vector<16xf32>
      %broadcast_in_dim3A_332 = arith.constant 23 : i32
      %broadcast_in_dim3A_333 = vector.broadcast %broadcast_in_dim3A_332 : i32 to vector<16xi32>
      %gather3A_334 = tpu.vector_load_idx %arg9[%add3A_193, %broadcast_in_dim3A_333] : memref<512x32xf32, #tpu.memory_space<vmem>>[vector<16xi32>, vector<16xi32>], vector<16xf32>,
      %gather3A_335 = tpu.vector_load_idx %arg10[%add3A_193, %broadcast_in_dim3A_333] : memref<512x32xf32, #tpu.memory_space<vmem>>[vector<16xi32>, vector<16xi32>], vector<16xf32>,
      %mul3A_336 = arith.mulf %gather3A_334, %gather3A_335 : vector<16xf32>
      %add3A_337 = arith.addf %add3A_331, %mul3A_336 : vector<16xf32>
      %broadcast_in_dim3A_338 = arith.constant 24 : i32
      %broadcast_in_dim3A_339 = vector.broadcast %broadcast_in_dim3A_338 : i32 to vector<16xi32>
      %gather3A_340 = tpu.vector_load_idx %arg9[%add3A_193, %broadcast_in_dim3A_339] : memref<512x32xf32, #tpu.memory_space<vmem>>[vector<16xi32>, vector<16xi32>], vector<16xf32>,
      %gather3A_341 = tpu.vector_load_idx %arg10[%add3A_193, %broadcast_in_dim3A_339] : memref<512x32xf32, #tpu.memory_space<vmem>>[vector<16xi32>, vector<16xi32>], vector<16xf32>,
      %mul3A_342 = arith.mulf %gather3A_340, %gather3A_341 : vector<16xf32>
      %add3A_343 = arith.addf %add3A_337, %mul3A_342 : vector<16xf32>
      %broadcast_in_dim3A_344 = arith.constant 25 : i32
      %broadcast_in_dim3A_345 = vector.broadcast %broadcast_in_dim3A_344 : i32 to vector<16xi32>
      %gather3A_346 = tpu.vector_load_idx %arg9[%add3A_193, %broadcast_in_dim3A_345] : memref<512x32xf32, #tpu.memory_space<vmem>>[vector<16xi32>, vector<16xi32>], vector<16xf32>,
      %gather3A_347 = tpu.vector_load_idx %arg10[%add3A_193, %broadcast_in_dim3A_345] : memref<512x32xf32, #tpu.memory_space<vmem>>[vector<16xi32>, vector<16xi32>], vector<16xf32>,
      %mul3A_348 = arith.mulf %gather3A_346, %gather3A_347 : vector<16xf32>
      %add3A_349 = arith.addf %add3A_343, %mul3A_348 : vector<16xf32>
      %broadcast_in_dim3A_350 = arith.constant 26 : i32
      %broadcast_in_dim3A_351 = vector.broadcast %broadcast_in_dim3A_350 : i32 to vector<16xi32>
      %gather3A_352 = tpu.vector_load_idx %arg9[%add3A_193, %broadcast_in_dim3A_351] : memref<512x32xf32, #tpu.memory_space<vmem>>[vector<16xi32>, vector<16xi32>], vector<16xf32>,
      %gather3A_353 = tpu.vector_load_idx %arg10[%add3A_193, %broadcast_in_dim3A_351] : memref<512x32xf32, #tpu.memory_space<vmem>>[vector<16xi32>, vector<16xi32>], vector<16xf32>,
      %mul3A_354 = arith.mulf %gather3A_352, %gather3A_353 : vector<16xf32>
      %add3A_355 = arith.addf %add3A_349, %mul3A_354 : vector<16xf32>
      %broadcast_in_dim3A_356 = arith.constant 27 : i32
      %broadcast_in_dim3A_357 = vector.broadcast %broadcast_in_dim3A_356 : i32 to vector<16xi32>
      %gather3A_358 = tpu.vector_load_idx %arg9[%add3A_193, %broadcast_in_dim3A_357] : memref<512x32xf32, #tpu.memory_space<vmem>>[vector<16xi32>, vector<16xi32>], vector<16xf32>,
      %gather3A_359 = tpu.vector_load_idx %arg10[%add3A_193, %broadcast_in_dim3A_357] : memref<512x32xf32, #tpu.memory_space<vmem>>[vector<16xi32>, vector<16xi32>], vector<16xf32>,
      %mul3A_360 = arith.mulf %gather3A_358, %gather3A_359 : vector<16xf32>
      %add3A_361 = arith.addf %add3A_355, %mul3A_360 : vector<16xf32>
      %broadcast_in_dim3A_362 = arith.constant 28 : i32
      %broadcast_in_dim3A_363 = vector.broadcast %broadcast_in_dim3A_362 : i32 to vector<16xi32>
      %gather3A_364 = tpu.vector_load_idx %arg9[%add3A_193, %broadcast_in_dim3A_363] : memref<512x32xf32, #tpu.memory_space<vmem>>[vector<16xi32>, vector<16xi32>], vector<16xf32>,
      %gather3A_365 = tpu.vector_load_idx %arg10[%add3A_193, %broadcast_in_dim3A_363] : memref<512x32xf32, #tpu.memory_space<vmem>>[vector<16xi32>, vector<16xi32>], vector<16xf32>,
      %mul3A_366 = arith.mulf %gather3A_364, %gather3A_365 : vector<16xf32>
      %add3A_367 = arith.addf %add3A_361, %mul3A_366 : vector<16xf32>
      %broadcast_in_dim3A_368 = arith.constant 29 : i32
      %broadcast_in_dim3A_369 = vector.broadcast %broadcast_in_dim3A_368 : i32 to vector<16xi32>
      %gather3A_370 = tpu.vector_load_idx %arg9[%add3A_193, %broadcast_in_dim3A_369] : memref<512x32xf32, #tpu.memory_space<vmem>>[vector<16xi32>, vector<16xi32>], vector<16xf32>,
      %gather3A_371 = tpu.vector_load_idx %arg10[%add3A_193, %broadcast_in_dim3A_369] : memref<512x32xf32, #tpu.memory_space<vmem>>[vector<16xi32>, vector<16xi32>], vector<16xf32>,
      %mul3A_372 = arith.mulf %gather3A_370, %gather3A_371 : vector<16xf32>
      %add3A_373 = arith.addf %add3A_367, %mul3A_372 : vector<16xf32>
      %broadcast_in_dim3A_374 = arith.constant 30 : i32
      %broadcast_in_dim3A_375 = vector.broadcast %broadcast_in_dim3A_374 : i32 to vector<16xi32>
      %gather3A_376 = tpu.vector_load_idx %arg9[%add3A_193, %broadcast_in_dim3A_375] : memref<512x32xf32, #tpu.memory_space<vmem>>[vector<16xi32>, vector<16xi32>], vector<16xf32>,
      %gather3A_377 = tpu.vector_load_idx %arg10[%add3A_193, %broadcast_in_dim3A_375] : memref<512x32xf32, #tpu.memory_space<vmem>>[vector<16xi32>, vector<16xi32>], vector<16xf32>,
      %mul3A_378 = arith.mulf %gather3A_376, %gather3A_377 : vector<16xf32>
      %add3A_379 = arith.addf %add3A_373, %mul3A_378 : vector<16xf32>
      %broadcast_in_dim3A_380 = arith.constant 31 : i32
      %broadcast_in_dim3A_381 = vector.broadcast %broadcast_in_dim3A_380 : i32 to vector<16xi32>
      %gather3A_382 = tpu.vector_load_idx %arg9[%add3A_193, %broadcast_in_dim3A_381] : memref<512x32xf32, #tpu.memory_space<vmem>>[vector<16xi32>, vector<16xi32>], vector<16xf32>,
      %gather3A_383 = tpu.vector_load_idx %arg10[%add3A_193, %broadcast_in_dim3A_381] : memref<512x32xf32, #tpu.memory_space<vmem>>[vector<16xi32>, vector<16xi32>], vector<16xf32>,
      %mul3A_384 = arith.mulf %gather3A_382, %gather3A_383 : vector<16xf32>
      %add3A_385 = arith.addf %add3A_379, %mul3A_384 : vector<16xf32>
      %mul3A_386 = arith.constant 16 : i32
      %mul3A_387 = arith.muli %scan3A_189, %mul3A_386 : i32
      %swap3A = arith.index_cast %mul3A_387 : i32 to index
      %swap3A_388 = tpu.vector_load %arg11[%swap3A] {strides = array<i32>} : memref<512xf32, #tpu.memory_space<vmem>>, vector<16xf32>,
      tpu.vector_store %arg11[%swap3A], %add3A_385 {strides = array<i32>} : memref<512xf32, #tpu.memory_space<vmem>>, vector<16xf32>,
    }
    %scan3A_188 = arith.constant 32 : i32
    "tpu.region"() ({
      %run_scoped3A_189 = tpu.sem_alloc : memref<!tpu.dma_semaphore, #tpu.memory_space<semaphore_mem>>
      %dma_start3A_190 = tpu.memref_slice %arg6[%mul3A_2] : memref<16384xf32, #tpu.memory_space<hbm>> -> memref<512xf32, #tpu.memory_space<hbm>>
      %dma_start3A_191 = tpu.memref_slice %arg6[%mul3A_2] : memref<16384xf32, #tpu.memory_space<hbm>> -> memref<512xf32, #tpu.memory_space<hbm>>
      tpu.enqueue_dma source(%arg11 : memref<512xf32, #tpu.memory_space<vmem>>) target(%dma_start3A_191 : memref<512xf32, #tpu.memory_space<hbm>>) target_semaphore(%run_scoped3A_189 : memref<!tpu.dma_semaphore, #tpu.memory_space<semaphore_mem>>)
      %dma_wait3A_192 = tpu.memref_slice %arg6[%mul3A_2] : memref<16384xf32, #tpu.memory_space<hbm>> -> memref<512xf32, #tpu.memory_space<hbm>>
      %dma_wait3A_193 = tpu.memref_slice %arg6[%mul3A_2] : memref<16384xf32, #tpu.memory_space<hbm>> -> memref<512xf32, #tpu.memory_space<hbm>>
      tpu.wait_dma2 semaphore(%run_scoped3A_189 : memref<!tpu.dma_semaphore, #tpu.memory_space<semaphore_mem>>) src(%arg11 : memref<512xf32, #tpu.memory_space<vmem>>) dst(%dma_wait3A_193 : memref<512xf32, #tpu.memory_space<hbm>>)
      tpu.yield
    }) : () -> ()
    return
  }
}

</mosaic_0001>

<sc_bundles>
// kernel: kernel.3.cloned.1.call-start
scs
__scs_entry_jumppad:
0x0: {  	(pc) =	sbr.rel $0x88, $3  }
0x1: {  	(tag) =	ssettag $0x0;
	lr =	simm.s32 $0x1  }
0x2: {  	[smem:$0x3F9D] =	sst lr;
	_ =	strace $0xD0000000  }
0x3: {  	_ = 	snop  }
0x4: {  	_ = 	snop  }
0x5: {  	_ = 	snop  }
0x6: {  	_ = 	snop  }
0x7: {  	_ = 	snop  }
__scs_overlays_trampoline_lowered:
0x8: {  	[smem:$0x3FAC] =	sst s0  }
0x9: {  	[smem:$0x3FAD] =	sst s1  }
0xa: {  	[smem:$0x3FAE] =	sst s2  }
0xb: {  	[smem:$0x3FAF] =	sst s3  }
0xc: {  	[smem:$0x3FB0] =	sst s4  }
0xd: {  	[smem:$0x3FB1] =	sst s5  }
0xe: {  	[smem:$0x3FB2] =	sst s6  }
0xf: {  	[smem:$0x3FB3] =	sst s7  }
0x10: {  	[smem:$0x3FB4] =	sst s8  }
0x11: {  	[smem:$0x3FB5] =	sst s9;
	s0 =	simm.s32 @!p0 $0x0  }
0x12: {  	s1 =	sld [smem:$0x3F9B];
	s0 =	simm.s32 @p0 $0x1  }
0x13: {  	[smem:$0x3FB6] =	sst s0;
	s0 =	simm.s32 @!p1 $0x0  }
0x14: {  	s2 =	sld [smem:$0x3F9A];
	s0 =	simm.s32 @p1 $0x1  }
0x15: {  	[smem:$0x3FB7] =	sst s0;
	s0 =	simm.s32 @!p2 $0x0  }
0x16: {  	s3 =	sld [smem:$0x3FDB];
	s0 =	simm.s32 @p2 $0x1  }
0x17: {  	s4 =	simm.s32 $0x1BF5;
	[smem:$0x3FB9] =	sst s0  }
0x18: {  	s0 =	sld [smem:$0x3F9C];
	_ =	swait.ge [sflag:s4], $0x0  }
0x19: {  	s7 =	sld [smem:$0x3F9D]  }
0x1a: {  	s8 =	sadd.s32 $0xFFFFE003, lr  }
0x1b: {  	s9 =	sadd.s32 $0xFFFFFEF7, lr;
	s5 =	simm.s32 $0xFFFFFFFF;
	p2 =	slt.u32 s8, $0xFFFFF086  }
0x1c: {  	p1 =	slt.u32 s9, $0xF7A;
	s5 =	simm.s32 @!p2 $0x0  }
0x1d: {  	s5 =	simm.s32 @p1 $0x1;
	p0 =	seq.s32 s7, s2  }
0x1e: {  	s7 =	smul.u32 @!p0 $0xF7A, s2;
	p2 =	seq.s32 @!p0 s5, $0x0  }
0x1f: {  	s9 =	smul.u32 $0xF7A, s1;
	s8 =	simm.s32 @!p0 $0x1BF5;
	p2 =	por !p2, p0  }
0x20: {  	[sflag:s8] =	ssyncset.s32 @!p0 $0xFFFFF086;
	s6 =	sadd.s32 @!p0 s3, s7;
	s7 =	simm.s32 @!p0 $0x108  }
0x21: {  	s3 =	sadd.s32 s3, s9;
	s6 =	sadd.s32 @!p0 $0x88, s6;
	s7 =	simm.s32 @p2 $0x1082  }
0x22: {  	[simem:s7], [sflag:s8] =	dma.local @!p0 [hbm:s6], $0xF7A  }
0x23: {  	s9 =	sor.u32 $0xD0000000, s2;
	s6 =	simm.s32 $0x108;
	_ =	swait.ge @!p0 [sflag:s8], $0x0  }
0x24: {  	s3 =	sadd.s32 $0x88, s3;
	s6 =	simm.s32 @!p1 $0x1082;
	[sflag:s4] =	ssyncset.s32 $0xFFFFF086  }
0x25: {  	[simem:s6], [sflag:s4] =	dma.local [hbm:s3], $0xF7A  }
0x26: {  	[smem:$0x3F9D] =	sst s1;
	(tag) =	ssettag s2;
	_ =	strace s9  }
0x27: {  	s1 =	sld [smem:$0x3FAD]  }
0x28: {  	s2 =	sld [smem:$0x3FAE]  }
0x29: {  	s4 =	sld [smem:$0x3FB0]  }
0x2a: {  	p0 =	seq.s32 s5, $0x0;
	s5 =	sld [smem:$0x3FB1]  }
0x2b: {  	s6 =	sld [smem:$0x3FB2]  }
0x2c: {  	s7 =	sld [smem:$0x3FB3]  }
0x2d: {  	s3 =	simm.s32 $0x108;
	s8 =	sld [smem:$0x3FB4]  }
0x2e: {  	s3 =	simm.s32 @!p0 $0x1082;
	s9 =	sld [smem:$0x3FB5]  }
0x2f: {  	lr =	sadd.s32 s0, s3;
	s0 =	sld [smem:$0x3FAC]  }
0x30: {  	s3 =	sld [smem:$0x3FAF]  }
0x31: {  	[smem:$0x3FB8] =	sst s10  }
0x32: {  	s10 =	sld [smem:$0x3FB6];
	_ =	sdelay $0x3  }
0x33: {  	p0 =	seq.s32 s10, $0x1;
	s10 =	sld [smem:$0x3FB8];
	_ =	sdelay $0x3  }
0x34: {  	[smem:$0x3FB8] =	sst s10  }
0x35: {  	s10 =	sld [smem:$0x3FB7];
	_ =	sdelay $0x3  }
0x36: {  	p1 =	seq.s32 s10, $0x1;
	s10 =	sld [smem:$0x3FB8];
	_ =	sdelay $0x3  }
0x37: {  	[smem:$0x3FB8] =	sst s10  }
0x38: {  	s10 =	sld [smem:$0x3FB9]  }
0x39: {  	_ = 	snop;
	(pc) =	sbr.ind lr, $3  }
0x3a: {  	_ = 	snop  }
0x3b: {  	_ = 	snop  }
0x3c: {  	p2 =	seq.s32 s10, $0x1;
	s10 =	sld [smem:$0x3FB8]  }
0x3d: {  	_ =	shalt  }
0x3e: {  	_ =	shalt  }
0x3f: {  	_ =	shalt  }
0x40: {  	_ =	shalt  }
0x41: {  	_ =	shalt  }
0x42: {  	_ =	shalt  }
0x43: {  	_ =	shalt  }
0x44: {  	_ =	shalt  }
0x45: {  	_ =	shalt  }
0x46: {  	_ =	shalt  }
0x47: {  	_ =	shalt  }
0x48: {  	_ =	shalt  }
0x49: {  	_ =	shalt  }
0x4a: {  	_ =	shalt  }
0x4b: {  	_ =	shalt  }
0x4c: {  	_ =	shalt  }
0x4d: {  	_ =	shalt  }
0x4e: {  	_ =	shalt  }
0x4f: {  	_ =	shalt  }
0x50: {  	_ =	shalt  }
0x51: {  	_ =	shalt  }
0x52: {  	_ =	shalt  }
0x53: {  	_ =	shalt  }
0x54: {  	_ =	shalt  }
0x55: {  	_ =	shalt  }
0x56: {  	_ =	shalt  }
0x57: {  	_ =	shalt  }
0x58: {  	_ =	shalt  }
0x59: {  	_ =	shalt  }
0x5a: {  	_ =	shalt  }
0x5b: {  	_ =	shalt  }
0x5c: {  	_ =	shalt  }
0x5d: {  	_ =	shalt  }
0x5e: {  	_ =	shalt  }
0x5f: {  	_ =	shalt  }
0x60: {  	_ =	shalt  }
0x61: {  	_ =	shalt  }
0x62: {  	_ =	shalt  }
0x63: {  	_ =	shalt  }
0x64: {  	_ =	shalt  }
0x65: {  	_ =	shalt  }
0x66: {  	_ =	shalt  }
0x67: {  	_ =	shalt  }
0x68: {  	_ =	shalt  }
0x69: {  	_ =	shalt  }
0x6a: {  	_ =	shalt  }
0x6b: {  	_ =	shalt  }
0x6c: {  	_ =	shalt  }
0x6d: {  	_ =	shalt  }
0x6e: {  	_ =	shalt  }
0x6f: {  	_ =	shalt  }
0x70: {  	_ =	shalt  }
0x71: {  	_ =	shalt  }
0x72: {  	_ =	shalt  }
0x73: {  	_ =	shalt  }
0x74: {  	_ =	shalt  }
0x75: {  	_ =	shalt  }
0x76: {  	_ =	shalt  }
0x77: {  	_ =	shalt  }
0x78: {  	_ =	shalt  }
0x79: {  	_ =	shalt  }
0x7a: {  	_ =	shalt  }
0x7b: {  	_ =	shalt  }
0x7c: {  	_ =	shalt  }
0x7d: {  	_ =	shalt  }
0x7e: {  	_ =	shalt  }
0x7f: {  	_ =	shalt  }
0x80: {  	_ =	shalt  }
0x81: {  	_ =	shalt  }
0x82: {  	_ =	shalt  }
0x83: {  	_ =	shalt  }
0x84: {  	_ =	shalt  }
0x85: {  	_ =	shalt  }
0x86: {  	_ =	shalt  }
0x87: {  	_ =	shalt  }
.Lfunc_end0:
.L_simem_size_0:
called_computation_lowered:
.L_overlay_start_0:
0x88: {  	s2 =	sld [smem:$0x3FD9]  }
0x89: {  	s3 =	sld [smem:$0x3FFE];
	_ =	sdelay $0x1  }
0x8a: {  	s1 =	srdreg.scid  }
0x8b: {  	s0 =	sand.u32 $0x1, s1  }
0x8c: {  	s17 =	sshll.u32 s0, $0xA;
	s2 =	sadd.s32 s3, s2  }
0x8d: {  	s2 =	sadd.s32 s2, s17  }
0x8e: {  	[smem:$0x3FC4] =	sst s2  }
0x8f: {  	_ = 	snop  }
0x90: {  	s2 =	sld [smem:$0x3FC9]  }
0x91: {  	s18 =	sld [smem:$0x3FC8]  }
0x92: {  	s4 =	sld [smem:$0x3FD0];
	(tm) =	ssettm $0x1  }
0x93: {  	s5 =	sld [smem:$0x3FFB];
	_ =	sdelay $0x3  }
0x94: {  	_ =	strace s5  }
0x95: {  	s5 =	sld [smem:$0x3FFC];
	_ =	sdelay $0x3  }
0x96: {  	_ =	strace s5  }
0x97: {  	s5 =	sld [smem:$0x3FFD];
	_ =	sdelay $0x3  }
0x98: {  	_ =	strace s5  }
0x99: {  	_ =	strace $0x8FFFFFFF  }
0x9a: {  	s19 =	sld [smem:$0x3FDB];
	_ =	sdelay $0x1  }
0x9b: {  	s6 =	simm.s32 $_scs_section_size  }
0x9c: {  	s7 =	simm.s32 $_size__tile_overlayer_lowered;
	s8 =	simm.s32 $_tile_overlayer_lowered  }
0x9d: {  	s22 =	simm.s32 $0x1BFF;
	s21 =	sshll.u32 s8, $0x1;
	s5 =	sadd.s32 s6, s19  }
0x9e: {  	s9 =	simm.s32 $0x0;
	s20 =	sshll.u32 s7, $0x1;
	s7 =	sadd.s32 s21, s5  }
0x9f: {  	[timem:s9], [sflag:s22] =	dma.local [hbm:s7], s20  }
0xa0: {  	_ =	swait.ge [sflag:s22], s20  }
0xa1: {  	s6 =	ssub.s32 $0x0, s20;
	[sflag:s22] =	ssyncset.done $0x0  }
0xa2: {  	[sflag:s22] =	ssyncadd.s32 s6;
	_ =	sdelay $0x1  }
0xa3: {  	s23 =	simm.s32 $0x1B8B  }
0xa4: {  	_ =	swait.ge [sflag:s23], $0x1  }
0xa5: {  	[sflag:s23] =	ssyncset.done $0x0  }
0xa6: {  	s25 =	simm.s32 $0x1B8E;
	s24 =	sld [smem:$0x3FFE];
	[sflag:s23] =	ssyncadd.s32 $0xFFFFFFFF  }
0xa7: {  	s26 =	simm.s32 $execute0_lowered;
	[smem:$0x3FD2] =	sst s25  }
0xa8: {  	s7 =	sshll.u32 s26, $0x1;
	_ =	strace $0x80000046;
	[dreg:$0x1] =	wrdreg $0xFFFFFFFF  }
0xa9: {  	s28 =	simm.s32 $_size_execute0_lowered;
	s5 =	sadd.s32 s5, s7;
	[dreg:$0x0] =	wrdreg $0x0  }
0xaa: {  	s7 =	sshll.u32 s28, $0x1;
	[dreg:$0x2] =	wrdreg s5  }
0xab: {  	[dreg:$0x3] =	wrdreg s7  }
0xac: {  	[dreg:$0x4] =	wrdreg $0xC0  }
0xad: {  	_ =	task [dreg:s9], $0x5FFFF  }
0xae: {  	[dreg:$0x1] =	wrdreg $0xFFFFFFFF  }
0xaf: {  	[dreg:$0x0] =	wrdreg $0x60  }
0xb0: {  	[dreg:$0x2] =	wrdreg s2  }
0xb1: {  	[dreg:$0x3] =	wrdreg s18  }
0xb2: {  	[dreg:$0x4] =	wrdreg s24  }
0xb3: {  	[dreg:$0x5] =	wrdreg s4  }
0xb4: {  	[dreg:$0x6] =	wrdreg $0x9  }
0xb5: {  	_ =	task.clear_ibuf [dreg:s9], $0x7FFFF;
	_ =	strace $0x90000046  }
0xb6: {  	s29 =	simm.s32 $0x9;
	_ =	strace $0x80000048  }
0xb7: {  	_ =	swait.ge [sflag:s29], $0x1  }
0xb8: {  	[sflag:s29] =	ssyncadd.s32 $0xFFFFFFFF  }
0xb9: {  	_ =	strace $0x90000048  }
0xba: {  	_ =	sfence  }
0xbb: {  	s30 =	sld [smem:$0x0];
	_ =	sdelay $0x2  }
0xbc: {  	s31 =	sshll.u32 s1, $0xD;
	s1 =	sshrl.u32 s1, $0x2  }
0xbd: {  	s3 =	sand.u32 $0x4000, s31;
	s1 =	sadd.s32 s1, s30  }
0xbe: {  	s0 =	sor.u32 s3, s0;
	s1 =	sshll.u32 s1, $0x11  }
0xbf: {  	s0 =	sor.u32 s1, s0  }
0xc0: {  	s0 =	sadd.s32 $0x8F2B, s0  }
0xc1: {  	[sflag:s0] =	ssyncadd.remote.s32 $0x1  }
0xc2: {  	_ =	sfence.sel $0xFFFF  }
0xc3: {  	[dreg:$0x0] =	wrdreg $0xFFFFFFFF;
	(pc) =	sbr.abs _section_cstart, $3  }
0xc4: {  	[dreg:$0x1] =	wrdreg $0xFFFFFFFF  }
0xc5: {  	_ =	task.clear_ibuf [dreg:s9], $0x2FFFF;
	_ =	strace $0x9FFFFFFF  }
0xc6: {  	(tm) =	ssettm $0x7FFFFFFF  }
0xc7: {  	_ =	shalt  }
tec
execute0_lowered:
.L_overlay_start_1:
0x0: {  	(tag) =	ssettag $0x1  }
0x1: {  	s0 =	rddreg [dreg:$0x0]  }
0x2: {  	s2 =	rddreg [dreg:$0x1]  }
0x3: {  	s4 =	rddreg [dreg:$0x2]  }
0x4: {  	s13 =	rddreg [dreg:$0x3];
	s1 =	simm.s32 $0x0  }
0x5: {  	s5 =	srdreg.scid;
	s7 =	stileid.u32;
	s16 =	simm.s32 $0x200  }
0x6: {  	s17 =	simm.s32 $0x80;
	s18 =	simm.s32 $0x280;
	s19 =	simm.s32 $0x100  }
0x7: {  	s20 =	simm.s32 $0x300;
	s21 =	simm.s32 $0x180;
	s22 =	simm.s32 $0x380  }
0x8: {  	s23 =	simm.s32 $0x400;
	s24 =	simm.s32 $0x4400;
	s29 =	simm.s32 $0x6400  }
0x9: {  	s30 =	simm.s32 $0x3400;
	s31 =	simm.s32 $0x7400;
	s25 =	simm.s32 $0x0  }
0xa: {  	[smem:$0x7FF] =	sst s1;
	s3 =	sadd.s32 $0xF42800, s4;
	s5 =	sand.u32 $0x1, s5  }
0xb: {  	s7 =	sshll.u32 s7, $0x7;
	s6 =	ssub.s32 $0x2, s5;
	s5 =	sshll.u32 s5, $0x6  }
0xc: {  	s4 =	sadd.s32 $0x1313200, s4;
	s8 =	sshrl.u32 s6, $0x1;
	s14 =	sor.u32 s5, s7  }
0xd: {  	_ =	strace $0x80000047;
	s15 =	ssub.s32 s6, s8;
	s5 =	sadd.s32 s0, s14  }
0xe: {  	s28 =	sor.u32 $0x10, s14;
	s6 =	sadd.s32 s2, s14;
	s10 =	sor.u32 $0x20, s14  }
0xf: {  	s12 =	sor.u32 $0x30, s14;
	s13 =	sadd.s32 s13, s14;
	s7 =	sadd.s32 s0, s28  }
0x10: {  	v0 =	vlaneseq.u32;
	s8 =	sadd.s32 s2, s28;
	s9 =	sadd.s32 s0, s10;
	s10 =	sadd.s32 s2, s10  }
0x11: {  	v0 =	vmul.u32 $0x20, v0;
	s11 =	sadd.s32 s0, s12;
	s12 =	sadd.s32 s2, s12;
	s14 =	smax.u32 s15, $0x1  }
0x12: {  	s15 =	simm.s32 $0x2;
	s0 =	simm.s32 $0x1;
	s2 =	simm.s32 $0x8400  }
.LBB2_1:
0x13: {  	[tilespmem:s1], [sflag:$0x2] =	stream.linear.gather [hbm4b:s5+s1], $0x80, $0x38;
	[tilespmem:$0x8600] =	vst v63  }
0x14: {  	_ =	swait.ge [sflag:s15], $0x80  }
0x15: {  	[sflag:s15] =	ssyncset.done $0x0  }
0x16: {  	[sflag:s15] =	ssyncadd.s32 $0xFFFFFF80  }
0x17: {  	[tilespmem:s16], [sflag:$0x2] =	stream.linear.gather [hbm4b:s6+s1], $0x80, $0x38;
	[tilespmem:$0x8600] =	vst v63  }
0x18: {  	_ =	swait.ge [sflag:s15], $0x80  }
0x19: {  	[sflag:s15] =	ssyncset.done $0x0  }
0x1a: {  	[sflag:s15] =	ssyncadd.s32 $0xFFFFFF80  }
0x1b: {  	[tilespmem:s17], [sflag:$0x2] =	stream.linear.gather [hbm4b:s7+s1], $0x80, $0x38;
	[tilespmem:$0x8600] =	vst v63  }
0x1c: {  	_ =	swait.ge [sflag:s15], $0x80  }
0x1d: {  	[sflag:s15] =	ssyncset.done $0x0  }
0x1e: {  	[sflag:s15] =	ssyncadd.s32 $0xFFFFFF80  }
0x1f: {  	[tilespmem:s18], [sflag:$0x2] =	stream.linear.gather [hbm4b:s8+s1], $0x80, $0x38;
	[tilespmem:$0x8600] =	vst v63  }
0x20: {  	_ =	swait.ge [sflag:s15], $0x80  }
0x21: {  	[sflag:s15] =	ssyncset.done $0x0  }
0x22: {  	[sflag:s15] =	ssyncadd.s32 $0xFFFFFF80  }
0x23: {  	[tilespmem:s19], [sflag:$0x2] =	stream.linear.gather [hbm4b:s9+s1], $0x80, $0x38;
	[tilespmem:$0x8600] =	vst v63  }
0x24: {  	_ =	swait.ge [sflag:s15], $0x80  }
0x25: {  	[sflag:s15] =	ssyncset.done $0x0  }
0x26: {  	[sflag:s15] =	ssyncadd.s32 $0xFFFFFF80  }
0x27: {  	[tilespmem:s20], [sflag:$0x2] =	stream.linear.gather [hbm4b:s10+s1], $0x80, $0x38;
	[tilespmem:$0x8600] =	vst v63  }
0x28: {  	_ =	swait.ge [sflag:s15], $0x80  }
0x29: {  	[sflag:s15] =	ssyncset.done $0x0  }
0x2a: {  	[sflag:s15] =	ssyncadd.s32 $0xFFFFFF80  }
0x2b: {  	[tilespmem:s21], [sflag:$0x2] =	stream.linear.gather [hbm4b:s11+s1], $0x80, $0x38;
	[tilespmem:$0x8600] =	vst v63  }
0x2c: {  	_ =	swait.ge [sflag:s15], $0x80  }
0x2d: {  	[sflag:s15] =	ssyncset.done $0x0  }
0x2e: {  	[sflag:s15] =	ssyncadd.s32 $0xFFFFFF80  }
0x2f: {  	[tilespmem:s22], [sflag:$0x2] =	stream.linear.gather [hbm4b:s12+s1], $0x80, $0x38;
	[tilespmem:$0x8600] =	vst v63  }
0x30: {  	_ =	swait.ge [sflag:s15], $0x80  }
0x31: {  	[sflag:s15] =	ssyncset.done $0x0  }
0x32: {  	[sflag:s15] =	ssyncadd.s32 $0xFFFFFF80  }
0x33: {  	[tilespmem:s23], [sflag:$0x1] =	stream.indirect.gather [hbm4b:s3+s17], $0x20, s1, s17, $0xb8;
	[tilespmem:$0x8600] =	vst v63  }
0x34: {  	_ = 	snop  }
0x35: {  	[tilespmem:s24], [sflag:$0x1] =	stream.indirect.gather [hbm4b:s4+s17], $0x20, s16, s17, $0xb8;
	[tilespmem:$0x8600] =	vst v63  }
0x36: {  	s26 =	simm.s32 $0x1400  }
0x37: {  	[tilespmem:s26], [sflag:$0x1] =	stream.indirect.gather [hbm4b:s3+s17], $0x20, s17, s17, $0xb8;
	[tilespmem:$0x8600] =	vst v63  }
0x38: {  	s26 =	simm.s32 $0x5400  }
0x39: {  	[tilespmem:s26], [sflag:$0x1] =	stream.indirect.gather [hbm4b:s4+s17], $0x20, s18, s17, $0xb8;
	[tilespmem:$0x8600] =	vst v63  }
0x3a: {  	s26 =	simm.s32 $0x2400  }
0x3b: {  	[tilespmem:s26], [sflag:$0x1] =	stream.indirect.gather [hbm4b:s3+s17], $0x20, s19, s17, $0xb8;
	[tilespmem:$0x8600] =	vst v63  }
0x3c: {  	_ = 	snop  }
0x3d: {  	[tilespmem:s29], [sflag:$0x1] =	stream.indirect.gather [hbm4b:s4+s17], $0x20, s20, s17, $0xb8;
	[tilespmem:$0x8600] =	vst v63  }
0x3e: {  	_ = 	snop  }
0x3f: {  	[tilespmem:s30], [sflag:$0x1] =	stream.indirect.gather [hbm4b:s3+s17], $0x20, s21, s17, $0xb8;
	[tilespmem:$0x8600] =	vst v63  }
0x40: {  	_ = 	snop  }
0x41: {  	[tilespmem:s31], [sflag:$0x1] =	stream.indirect.gather [hbm4b:s4+s17], $0x20, s22, s17, $0xb8;
	[tilespmem:$0x8600] =	vst v63  }
0x42: {  	_ =	swait.ge [sflag:s0], $0x1000  }
0x43: {  	[sflag:s0] =	ssyncset.done $0x0  }
0x44: {  	[sflag:s0] =	ssyncadd.s32 $0xFFFFF000  }
0x45: {  	_ =	swait.ge [sflag:s0], $0x1000  }
0x46: {  	[sflag:s0] =	ssyncset.done $0x0  }
0x47: {  	[sflag:s0] =	ssyncadd.s32 $0xFFFFF000  }
0x48: {  	_ =	swait.ge [sflag:s0], $0x1000  }
0x49: {  	[sflag:s0] =	ssyncset.done $0x0  }
0x4a: {  	[sflag:s0] =	ssyncadd.s32 $0xFFFFF000  }
0x4b: {  	_ =	swait.ge [sflag:s0], $0x1000  }
0x4c: {  	[sflag:s0] =	ssyncset.done $0x0  }
0x4d: {  	[sflag:s0] =	ssyncadd.s32 $0xFFFFF000  }
0x4e: {  	_ =	swait.ge [sflag:s0], $0x1000  }
0x4f: {  	[sflag:s0] =	ssyncset.done $0x0  }
0x50: {  	[sflag:s0] =	ssyncadd.s32 $0xFFFFF000  }
0x51: {  	_ =	swait.ge [sflag:s0], $0x1000  }
0x52: {  	[sflag:s0] =	ssyncset.done $0x0  }
0x53: {  	v1 =	vmov s1;
	[sflag:s0] =	ssyncadd.s32 $0xFFFFF000  }
0x54: {  	v1 =	vshll.u32 v1, $0x5;
	_ =	swait.ge [sflag:s0], $0x1000  }
0x55: {  	v1 =	vor.u32 v0, v1;
	[sflag:s0] =	ssyncset.done $0x0  }
0x56: {  	[sflag:s0] =	ssyncadd.s32 $0xFFFFF000  }
0x57: {  	v2 =	vor.u32 $0x1, v1;
	_ =	swait.ge [sflag:s0], $0x1000  }
0x58: {  	[sflag:s0] =	ssyncset.done $0x0  }
0x59: {  	v3 =	vor.u32 $0x2, v1;
	[sflag:s0] =	ssyncadd.s32 $0xFFFFF000  }
0x5a: {  	v4 =	vld.idx.msk [tilespmem:v1+s24+$0x0], $0xffff  }
0x5b: {  	v6 =	vor.u32 $0x3, v1;
	v5 =	vld.idx.msk [tilespmem:v1+s23+$0x0], $0xffff  }
0x5c: {  	v7 =	vld.idx.msk [tilespmem:v2+s23+$0x0], $0xffff  }
0x5d: {  	v8 =	vor.u32 $0x4, v1;
	v2 =	vld.idx.msk [tilespmem:v2+s24+$0x0], $0xffff  }
0x5e: {  	v9 =	vld.idx.msk [tilespmem:v3+s23+$0x0], $0xffff  }
0x5f: {  	v10 =	vor.u32 $0x5, v1;
	v3 =	vld.idx.msk [tilespmem:v3+s24+$0x0], $0xffff  }
0x60: {  	v11 =	vld.idx.msk [tilespmem:v6+s23+$0x0], $0xffff;
	v4 =	vmul.f32 v4, v5  }
0x61: {  	v5 =	vld.idx.msk [tilespmem:v6+s24+$0x0], $0xffff;
	v6 =	vor.u32 $0x6, v1  }
0x62: {  	v12 =	vld.idx.msk [tilespmem:v8+s23+$0x0], $0xffff;
	v2 =	vmul.f32 v2, v7;
	v4 =	vadd.f32 $0.0e+00, v4  }
0x63: {  	v25 =	vor.u32 $0x7, v1;
	v7 =	vld.idx.msk [tilespmem:v8+s24+$0x0], $0xffff  }
0x64: {  	v13 =	vld.idx.msk [tilespmem:v10+s23+$0x0], $0xffff;
	v3 =	vmul.f32 v3, v9;
	v2 =	vadd.f32 v2, v4  }
0x65: {  	v26 =	vor.u32 $0x8, v1;
	v4 =	vld.idx.msk [tilespmem:v10+s24+$0x0], $0xffff  }
0x66: {  	v27 =	vld.idx.msk [tilespmem:v6+s23+$0x0], $0xffff;
	v2 =	vadd.f32 v3, v2;
	v3 =	vmul.f32 v5, v11  }
0x67: {  	v5 =	vld.idx.msk [tilespmem:v6+s24+$0x0], $0xffff;
	v6 =	vor.u32 $0x9, v1  }
0x68: {  	v28 =	vld.idx.msk [tilespmem:v25+s23+$0x0], $0xffff;
	v2 =	vadd.f32 v3, v2;
	v3 =	vmul.f32 v7, v12  }
0x69: {  	v29 =	vor.u32 $0xA, v1;
	v7 =	vld.idx.msk [tilespmem:v25+s24+$0x0], $0xffff  }
0x6a: {  	v30 =	vld.idx.msk [tilespmem:v26+s23+$0x0], $0xffff;
	v2 =	vadd.f32 v3, v2;
	v3 =	vmul.f32 v4, v13  }
0x6b: {  	v31 =	vor.u32 $0xB, v1;
	v4 =	vld.idx.msk [tilespmem:v26+s24+$0x0], $0xffff  }
0x6c: {  	v32 =	vld.idx.msk [tilespmem:v6+s23+$0x0], $0xffff;
	v2 =	vadd.f32 v3, v2;
	v3 =	vmul.f32 v5, v27  }
0x6d: {  	v5 =	vld.idx.msk [tilespmem:v6+s24+$0x0], $0xffff;
	v6 =	vor.u32 $0xC, v1  }
0x6e: {  	v33 =	vld.idx.msk [tilespmem:v29+s23+$0x0], $0xffff;
	v2 =	vadd.f32 v3, v2;
	v3 =	vmul.f32 v7, v28  }
0x6f: {  	v34 =	vor.u32 $0xD, v1;
	v7 =	vld.idx.msk [tilespmem:v29+s24+$0x0], $0xffff  }
0x70: {  	v35 =	vld.idx.msk [tilespmem:v31+s23+$0x0], $0xffff;
	v2 =	vadd.f32 v3, v2;
	v3 =	vmul.f32 v4, v30  }
0x71: {  	v36 =	vor.u32 $0xE, v1;
	v4 =	vld.idx.msk [tilespmem:v31+s24+$0x0], $0xffff  }
0x72: {  	v37 =	vld.idx.msk [tilespmem:v6+s23+$0x0], $0xffff;
	v2 =	vadd.f32 v3, v2;
	v3 =	vmul.f32 v5, v32  }
0x73: {  	v5 =	vld.idx.msk [tilespmem:v6+s24+$0x0], $0xffff;
	v6 =	vor.u32 $0xF, v1  }
0x74: {  	v38 =	vld.idx.msk [tilespmem:v34+s23+$0x0], $0xffff;
	v2 =	vadd.f32 v3, v2;
	v3 =	vmul.f32 v7, v33  }
0x75: {  	v39 =	vor.u32 $0x10, v1;
	v7 =	vld.idx.msk [tilespmem:v34+s24+$0x0], $0xffff  }
0x76: {  	v40 =	vld.idx.msk [tilespmem:v36+s23+$0x0], $0xffff;
	v2 =	vadd.f32 v3, v2;
	v3 =	vmul.f32 v4, v35  }
0x77: {  	v41 =	vor.u32 $0x11, v1;
	v4 =	vld.idx.msk [tilespmem:v36+s24+$0x0], $0xffff  }
0x78: {  	v42 =	vld.idx.msk [tilespmem:v6+s23+$0x0], $0xffff;
	v2 =	vadd.f32 v3, v2;
	v3 =	vmul.f32 v5, v37  }
0x79: {  	v5 =	vld.idx.msk [tilespmem:v6+s24+$0x0], $0xffff;
	v6 =	vor.u32 $0x12, v1  }
0x7a: {  	v43 =	vld.idx.msk [tilespmem:v39+s23+$0x0], $0xffff;
	v2 =	vadd.f32 v3, v2;
	v3 =	vmul.f32 v7, v38  }
0x7b: {  	v44 =	vor.u32 $0x13, v1;
	v7 =	vld.idx.msk [tilespmem:v39+s24+$0x0], $0xffff  }
0x7c: {  	v45 =	vld.idx.msk [tilespmem:v41+s23+$0x0], $0xffff;
	v2 =	vadd.f32 v3, v2;
	v3 =	vmul.f32 v4, v40  }
0x7d: {  	v46 =	vor.u32 $0x14, v1;
	v4 =	vld.idx.msk [tilespmem:v41+s24+$0x0], $0xffff  }
0x7e: {  	v47 =	vld.idx.msk [tilespmem:v6+s23+$0x0], $0xffff;
	v2 =	vadd.f32 v3, v2;
	v3 =	vmul.f32 v5, v42  }
0x7f: {  	v5 =	vld.idx.msk [tilespmem:v6+s24+$0x0], $0xffff;
	v6 =	vor.u32 $0x15, v1  }
0x80: {  	v48 =	vld.idx.msk [tilespmem:v44+s23+$0x0], $0xffff;
	v2 =	vadd.f32 v3, v2;
	v3 =	vmul.f32 v7, v43  }
0x81: {  	v49 =	vor.u32 $0x16, v1;
	v7 =	vld.idx.msk [tilespmem:v44+s24+$0x0], $0xffff  }
0x82: {  	v50 =	vld.idx.msk [tilespmem:v46+s23+$0x0], $0xffff;
	v2 =	vadd.f32 v3, v2;
	v3 =	vmul.f32 v4, v45  }
0x83: {  	v51 =	vor.u32 $0x17, v1;
	v4 =	vld.idx.msk [tilespmem:v46+s24+$0x0], $0xffff  }
0x84: {  	v52 =	vld.idx.msk [tilespmem:v6+s23+$0x0], $0xffff;
	v2 =	vadd.f32 v3, v2;
	v3 =	vmul.f32 v5, v47  }
0x85: {  	v5 =	vld.idx.msk [tilespmem:v6+s24+$0x0], $0xffff;
	v6 =	vor.u32 $0x18, v1  }
0x86: {  	v53 =	vld.idx.msk [tilespmem:v49+s23+$0x0], $0xffff;
	v2 =	vadd.f32 v3, v2;
	v3 =	vmul.f32 v7, v48  }
0x87: {  	v54 =	vor.u32 $0x19, v1;
	v7 =	vld.idx.msk [tilespmem:v49+s24+$0x0], $0xffff  }
0x88: {  	v55 =	vld.idx.msk [tilespmem:v51+s23+$0x0], $0xffff;
	v2 =	vadd.f32 v3, v2;
	v3 =	vmul.f32 v4, v50  }
0x89: {  	v56 =	vor.u32 $0x1A, v1;
	v4 =	vld.idx.msk [tilespmem:v51+s24+$0x0], $0xffff  }
0x8a: {  	v57 =	vld.idx.msk [tilespmem:v6+s23+$0x0], $0xffff;
	v2 =	vadd.f32 v3, v2;
	v3 =	vmul.f32 v5, v52  }
0x8b: {  	v5 =	vld.idx.msk [tilespmem:v6+s24+$0x0], $0xffff;
	v6 =	vor.u32 $0x1B, v1  }
0x8c: {  	v58 =	vld.idx.msk [tilespmem:v54+s23+$0x0], $0xffff;
	v2 =	vadd.f32 v3, v2;
	v3 =	vmul.f32 v7, v53  }
0x8d: {  	v59 =	vor.u32 $0x1C, v1;
	v7 =	vld.idx.msk [tilespmem:v54+s24+$0x0], $0xffff  }
0x8e: {  	v60 =	vld.idx.msk [tilespmem:v56+s23+$0x0], $0xffff;
	v2 =	vadd.f32 v3, v2;
	v3 =	vmul.f32 v4, v55  }
0x8f: {  	v61 =	vor.u32 $0x1D, v1;
	v4 =	vld.idx.msk [tilespmem:v56+s24+$0x0], $0xffff  }
0x90: {  	v62 =	vld.idx.msk [tilespmem:v6+s23+$0x0], $0xffff;
	v2 =	vadd.f32 v3, v2;
	v3 =	vmul.f32 v5, v57  }
0x91: {  	v5 =	vld.idx.msk [tilespmem:v6+s24+$0x0], $0xffff;
	v6 =	vor.u32 $0x1E, v1  }
0x92: {  	v63 =	vld.idx.msk [tilespmem:v59+s23+$0x0], $0xffff;
	v2 =	vadd.f32 v3, v2;
	v3 =	vmul.f32 v7, v58  }
0x93: {  	v1 =	vor.u32 $0x1F, v1;
	v7 =	vld.idx.msk [tilespmem:v59+s24+$0x0], $0xffff  }
0x94: {  	v15 =	vld.idx.msk [tilespmem:v61+s23+$0x0], $0xffff;
	v2 =	vadd.f32 v3, v2;
	v3 =	vmul.f32 v4, v60  }
0x95: {  	v4 =	vld.idx.msk [tilespmem:v61+s24+$0x0], $0xffff  }
0x96: {  	v16 =	vld.idx.msk [tilespmem:v6+s23+$0x0], $0xffff;
	v2 =	vadd.f32 v3, v2;
	v3 =	vmul.f32 v5, v62  }
0x97: {  	v5 =	vld.idx.msk [tilespmem:v6+s24+$0x0], $0xffff  }
0x98: {  	v6 =	vld.idx.msk [tilespmem:v1+s23+$0x0], $0xffff;
	v2 =	vadd.f32 v3, v2;
	v3 =	vmul.f32 v7, v63  }
0x99: {  	v7 =	vld.idx.msk [tilespmem:v1+s24+$0x0], $0xffff  }
0x9a: {  	v1 =	vadd.f32 v3, v2;
	v2 =	vmul.f32 v4, v15  }
0x9b: {  	s26 =	simm.s32 $0x10  }
0x9c: {  	v3 =	vmov s26;
	v4 =	vmul.f32 v5, v16;
	v2 =	vadd.f32 v2, v1  }
0x9d: {  	v1 =	vshll.u32 v3, $0x5  }
0x9e: {  	v1 =	vor.u32 v0, v1;
	v3 =	vmul.f32 v7, v6;
	v2 =	vadd.f32 v4, v2;
	_ =	sdelay $0x1  }
0x9f: {  	v4 =	vor.u32 $0x1, v1;
	v2 =	vadd.f32 v3, v2;
	_ =	sdelay $0x1  }
0xa0: {  	v3 =	vor.u32 $0x2, v1;
	[tilespmem:s2+$0x0] =	vst v2  }
0xa1: {  	v2 =	vld.idx.msk [tilespmem:v1+s24+$0x0], $0xffff  }
0xa2: {  	v6 =	vor.u32 $0x3, v1;
	v5 =	vld.idx.msk [tilespmem:v1+s23+$0x0], $0xffff  }
0xa3: {  	v7 =	vld.idx.msk [tilespmem:v4+s23+$0x0], $0xffff  }
0xa4: {  	v17 =	vor.u32 $0x4, v1;
	v4 =	vld.idx.msk [tilespmem:v4+s24+$0x0], $0xffff  }
0xa5: {  	v18 =	vld.idx.msk [tilespmem:v3+s23+$0x0], $0xffff  }
0xa6: {  	v19 =	vor.u32 $0x5, v1;
	v3 =	vld.idx.msk [tilespmem:v3+s24+$0x0], $0xffff  }
0xa7: {  	v20 =	vld.idx.msk [tilespmem:v6+s23+$0x0], $0xffff;
	v2 =	vmul.f32 v2, v5  }
0xa8: {  	v5 =	vld.idx.msk [tilespmem:v6+s24+$0x0], $0xffff;
	v6 =	vor.u32 $0x6, v1  }
0xa9: {  	v21 =	vld.idx.msk [tilespmem:v17+s23+$0x0], $0xffff;
	v4 =	vmul.f32 v4, v7;
	v2 =	vadd.f32 $0.0e+00, v2  }
0xaa: {  	v22 =	vor.u32 $0x7, v1;
	v7 =	vld.idx.msk [tilespmem:v17+s24+$0x0], $0xffff  }
0xab: {  	v23 =	vld.idx.msk [tilespmem:v19+s23+$0x0], $0xffff;
	v3 =	vmul.f32 v3, v18;
	v2 =	vadd.f32 v4, v2  }
0xac: {  	v24 =	vor.u32 $0x8, v1;
	v4 =	vld.idx.msk [tilespmem:v19+s24+$0x0], $0xffff  }
0xad: {  	v25 =	vld.idx.msk [tilespmem:v6+s23+$0x0], $0xffff;
	v2 =	vadd.f32 v3, v2;
	v3 =	vmul.f32 v5, v20  }
0xae: {  	v5 =	vld.idx.msk [tilespmem:v6+s24+$0x0], $0xffff;
	v6 =	vor.u32 $0x9, v1  }
0xaf: {  	v26 =	vld.idx.msk [tilespmem:v22+s23+$0x0], $0xffff;
	v2 =	vadd.f32 v3, v2;
	v3 =	vmul.f32 v7, v21  }
0xb0: {  	v27 =	vor.u32 $0xA, v1;
	v7 =	vld.idx.msk [tilespmem:v22+s24+$0x0], $0xffff  }
0xb1: {  	v28 =	vld.idx.msk [tilespmem:v24+s23+$0x0], $0xffff;
	v2 =	vadd.f32 v3, v2;
	v3 =	vmul.f32 v4, v23  }
0xb2: {  	v29 =	vor.u32 $0xB, v1;
	v4 =	vld.idx.msk [tilespmem:v24+s24+$0x0], $0xffff  }
0xb3: {  	v30 =	vld.idx.msk [tilespmem:v6+s23+$0x0], $0xffff;
	v2 =	vadd.f32 v3, v2;
	v3 =	vmul.f32 v5, v25  }
0xb4: {  	v5 =	vld.idx.msk [tilespmem:v6+s24+$0x0], $0xffff;
	v6 =	vor.u32 $0xC, v1  }
0xb5: {  	v31 =	vld.idx.msk [tilespmem:v27+s23+$0x0], $0xffff;
	v2 =	vadd.f32 v3, v2;
	v3 =	vmul.f32 v7, v26  }
0xb6: {  	v32 =	vor.u32 $0xD, v1;
	v7 =	vld.idx.msk [tilespmem:v27+s24+$0x0], $0xffff  }
0xb7: {  	v33 =	vld.idx.msk [tilespmem:v29+s23+$0x0], $0xffff;
	v2 =	vadd.f32 v3, v2;
	v3 =	vmul.f32 v4, v28  }
0xb8: {  	v34 =	vor.u32 $0xE, v1;
	v4 =	vld.idx.msk [tilespmem:v29+s24+$0x0], $0xffff  }
0xb9: {  	v35 =	vld.idx.msk [tilespmem:v6+s23+$0x0], $0xffff;
	v2 =	vadd.f32 v3, v2;
	v3 =	vmul.f32 v5, v30  }
0xba: {  	v5 =	vld.idx.msk [tilespmem:v6+s24+$0x0], $0xffff;
	v6 =	vor.u32 $0xF, v1  }
0xbb: {  	v36 =	vld.idx.msk [tilespmem:v32+s23+$0x0], $0xffff;
	v2 =	vadd.f32 v3, v2;
	v3 =	vmul.f32 v7, v31  }
0xbc: {  	v37 =	vor.u32 $0x10, v1;
	v7 =	vld.idx.msk [tilespmem:v32+s24+$0x0], $0xffff  }
0xbd: {  	v38 =	vld.idx.msk [tilespmem:v34+s23+$0x0], $0xffff;
	v2 =	vadd.f32 v3, v2;
	v3 =	vmul.f32 v4, v33  }
0xbe: {  	v39 =	vor.u32 $0x11, v1;
	v4 =	vld.idx.msk [tilespmem:v34+s24+$0x0], $0xffff  }
0xbf: {  	v40 =	vld.idx.msk [tilespmem:v6+s23+$0x0], $0xffff;
	v2 =	vadd.f32 v3, v2;
	v3 =	vmul.f32 v5, v35  }
0xc0: {  	v5 =	vld.idx.msk [tilespmem:v6+s24+$0x0], $0xffff;
	v6 =	vor.u32 $0x12, v1  }
0xc1: {  	v41 =	vld.idx.msk [tilespmem:v37+s23+$0x0], $0xffff;
	v2 =	vadd.f32 v3, v2;
	v3 =	vmul.f32 v7, v36  }
0xc2: {  	v42 =	vor.u32 $0x13, v1;
	v7 =	vld.idx.msk [tilespmem:v37+s24+$0x0], $0xffff  }
0xc3: {  	v43 =	vld.idx.msk [tilespmem:v39+s23+$0x0], $0xffff;
	v2 =	vadd.f32 v3, v2;
	v3 =	vmul.f32 v4, v38  }
0xc4: {  	v44 =	vor.u32 $0x14, v1;
	v4 =	vld.idx.msk [tilespmem:v39+s24+$0x0], $0xffff  }
0xc5: {  	v45 =	vld.idx.msk [tilespmem:v6+s23+$0x0], $0xffff;
	v2 =	vadd.f32 v3, v2;
	v3 =	vmul.f32 v5, v40  }
0xc6: {  	v5 =	vld.idx.msk [tilespmem:v6+s24+$0x0], $0xffff;
	v6 =	vor.u32 $0x15, v1  }
0xc7: {  	v46 =	vld.idx.msk [tilespmem:v42+s23+$0x0], $0xffff;
	v2 =	vadd.f32 v3, v2;
	v3 =	vmul.f32 v7, v41  }
0xc8: {  	v47 =	vor.u32 $0x16, v1;
	v7 =	vld.idx.msk [tilespmem:v42+s24+$0x0], $0xffff  }
0xc9: {  	v48 =	vld.idx.msk [tilespmem:v44+s23+$0x0], $0xffff;
	v2 =	vadd.f32 v3, v2;
	v3 =	vmul.f32 v4, v43  }
0xca: {  	v49 =	vor.u32 $0x17, v1;
	v4 =	vld.idx.msk [tilespmem:v44+s24+$0x0], $0xffff  }
0xcb: {  	v50 =	vld.idx.msk [tilespmem:v6+s23+$0x0], $0xffff;
	v2 =	vadd.f32 v3, v2;
	v3 =	vmul.f32 v5, v45  }
0xcc: {  	v5 =	vld.idx.msk [tilespmem:v6+s24+$0x0], $0xffff;
	v6 =	vor.u32 $0x18, v1  }
0xcd: {  	v51 =	vld.idx.msk [tilespmem:v47+s23+$0x0], $0xffff;
	v2 =	vadd.f32 v3, v2;
	v3 =	vmul.f32 v7, v46  }
0xce: {  	v52 =	vor.u32 $0x19, v1;
	v7 =	vld.idx.msk [tilespmem:v47+s24+$0x0], $0xffff  }
0xcf: {  	v53 =	vld.idx.msk [tilespmem:v49+s23+$0x0], $0xffff;
	v2 =	vadd.f32 v3, v2;
	v3 =	vmul.f32 v4, v48  }
0xd0: {  	v54 =	vor.u32 $0x1A, v1;
	v4 =	vld.idx.msk [tilespmem:v49+s24+$0x0], $0xffff  }
0xd1: {  	v55 =	vld.idx.msk [tilespmem:v6+s23+$0x0], $0xffff;
	v2 =	vadd.f32 v3, v2;
	v3 =	vmul.f32 v5, v50  }
0xd2: {  	v5 =	vld.idx.msk [tilespmem:v6+s24+$0x0], $0xffff;
	v6 =	vor.u32 $0x1B, v1  }
0xd3: {  	v56 =	vld.idx.msk [tilespmem:v52+s23+$0x0], $0xffff;
	v2 =	vadd.f32 v3, v2;
	v3 =	vmul.f32 v7, v51  }
0xd4: {  	v57 =	vor.u32 $0x1C, v1;
	v7 =	vld.idx.msk [tilespmem:v52+s24+$0x0], $0xffff  }
0xd5: {  	v58 =	vld.idx.msk [tilespmem:v54+s23+$0x0], $0xffff;
	v2 =	vadd.f32 v3, v2;
	v3 =	vmul.f32 v4, v53  }
0xd6: {  	v4 =	vld.idx.msk [tilespmem:v54+s24+$0x0], $0xffff  }
0xd7: {  	v60 =	vld.idx.msk [tilespmem:v6+s23+$0x0], $0xffff;
	v2 =	vadd.f32 v3, v2;
	v3 =	vmul.f32 v5, v55  }
0xd8: {  	v59 =	vor.u32 $0x1D, v1;
	v5 =	vld.idx.msk [tilespmem:v6+s24+$0x0], $0xffff  }
0xd9: {  	v61 =	vld.idx.msk [tilespmem:v57+s23+$0x0], $0xffff;
	v2 =	vadd.f32 v3, v2;
	v3 =	vmul.f32 v7, v56  }
0xda: {  	v6 =	vor.u32 $0x1E, v1;
	v7 =	vld.idx.msk [tilespmem:v57+s24+$0x0], $0xffff  }
0xdb: {  	v2 =	vadd.f32 v3, v2;
	v3 =	vmul.f32 v4, v58  }
0xdc: {  	v1 =	vor.u32 $0x1F, v1  }
0xdd: {  	v62 =	vld.idx.msk [tilespmem:v59+s23+$0x0], $0xffff;
	v2 =	vadd.f32 v3, v2;
	v3 =	vmul.f32 v5, v60  }
0xde: {  	v4 =	vld.idx.msk [tilespmem:v59+s24+$0x0], $0xffff  }
0xdf: {  	v63 =	vld.idx.msk [tilespmem:v6+s23+$0x0], $0xffff;
	v2 =	vadd.f32 v3, v2;
	v3 =	vmul.f32 v7, v61  }
0xe0: {  	v5 =	vld.idx.msk [tilespmem:v6+s24+$0x0], $0xffff  }
0xe1: {  	v6 =	vadd.f32 v3, v2;
	v2 =	vld.idx.msk [tilespmem:v1+s23+$0x0], $0xffff  }
0xe2: {  	v3 =	vld.idx.msk [tilespmem:v1+s24+$0x0], $0xffff  }
0xe3: {  	v4 =	vmul.f32 v4, v62  }
0xe4: {  	s26 =	simm.s32 $0x20  }
0xe5: {  	v7 =	vmov s26;
	v5 =	vmul.f32 v5, v63;
	v4 =	vadd.f32 v4, v6  }
0xe6: {  	s28 =	simm.s32 $0x30;
	s26 =	simm.s32 $0x8400;
	v1 =	vshll.u32 v7, $0x5  }
.LBB2_2:
0xe7: {  	p0 =	sne.s32 s28, $0x1F0;
	v1 =	vor.u32 v0, v1;
	v4 =	vadd.f32 v5, v4;
	v2 =	vmul.f32 v3, v2;
	_ =	sdelay $0x1  }
0xe8: {  	v3 =	vor.u32 $0x1, v1;
	v2 =	vadd.f32 v2, v4  }
0xe9: {  	s26 =	sadd.s32 $0x10, s26  }
0xea: {  	v4 =	vor.u32 $0x2, v1;
	[tilespmem:s26+$0x0] =	vst v2  }
0xeb: {  	v2 =	vld.idx.msk [tilespmem:v1+s24+$0x0], $0xffff  }
0xec: {  	v6 =	vor.u32 $0x3, v1;
	v5 =	vld.idx.msk [tilespmem:v1+s23+$0x0], $0xffff  }
0xed: {  	v7 =	vld.idx.msk [tilespmem:v3+s23+$0x0], $0xffff  }
0xee: {  	v8 =	vor.u32 $0x4, v1;
	v3 =	vld.idx.msk [tilespmem:v3+s24+$0x0], $0xffff  }
0xef: {  	v9 =	vld.idx.msk [tilespmem:v4+s23+$0x0], $0xffff  }
0xf0: {  	v10 =	vor.u32 $0x5, v1;
	v4 =	vld.idx.msk [tilespmem:v4+s24+$0x0], $0xffff  }
0xf1: {  	v11 =	vld.idx.msk [tilespmem:v6+s23+$0x0], $0xffff  }
0xf2: {  	v2 =	vmul.f32 v2, v5;
	v5 =	vld.idx.msk [tilespmem:v6+s24+$0x0], $0xffff;
	v6 =	vor.u32 $0x6, v1  }
0xf3: {  	v12 =	vld.idx.msk [tilespmem:v8+s23+$0x0], $0xffff  }
0xf4: {  	v2 =	vadd.f32 $0.0e+00, v2;
	v3 =	vmul.f32 v3, v7;
	v7 =	vld.idx.msk [tilespmem:v8+s24+$0x0], $0xffff;
	v8 =	vor.u32 $0x7, v1  }
0xf5: {  	v13 =	vld.idx.msk [tilespmem:v10+s23+$0x0], $0xffff  }
0xf6: {  	v2 =	vadd.f32 v3, v2;
	v3 =	vmul.f32 v4, v9;
	v9 =	vor.u32 $0x8, v1;
	v4 =	vld.idx.msk [tilespmem:v10+s24+$0x0], $0xffff  }
0xf7: {  	v10 =	vld.idx.msk [tilespmem:v6+s23+$0x0], $0xffff  }
0xf8: {  	v2 =	vadd.f32 v3, v2;
	v3 =	vmul.f32 v5, v11;
	v5 =	vld.idx.msk [tilespmem:v6+s24+$0x0], $0xffff;
	v6 =	vor.u32 $0x9, v1  }
0xf9: {  	v11 =	vld.idx.msk [tilespmem:v8+s23+$0x0], $0xffff  }
0xfa: {  	v2 =	vadd.f32 v3, v2;
	v3 =	vmul.f32 v7, v12;
	v7 =	vld.idx.msk [tilespmem:v8+s24+$0x0], $0xffff;
	v8 =	vor.u32 $0xA, v1  }
0xfb: {  	v12 =	vld.idx.msk [tilespmem:v9+s23+$0x0], $0xffff  }
0xfc: {  	v2 =	vadd.f32 v3, v2;
	v3 =	vmul.f32 v4, v13;
	v4 =	vld.idx.msk [tilespmem:v9+s24+$0x0], $0xffff;
	v9 =	vor.u32 $0xB, v1  }
0xfd: {  	v13 =	vld.idx.msk [tilespmem:v6+s23+$0x0], $0xffff  }
0xfe: {  	v2 =	vadd.f32 v3, v2;
	v3 =	vmul.f32 v5, v10;
	v5 =	vld.idx.msk [tilespmem:v6+s24+$0x0], $0xffff;
	v6 =	vor.u32 $0xC, v1  }
0xff: {  	v10 =	vld.idx.msk [tilespmem:v8+s23+$0x0], $0xffff  }
0x100: {  	v2 =	vadd.f32 v3, v2;
	v3 =	vmul.f32 v7, v11;
	v7 =	vld.idx.msk [tilespmem:v8+s24+$0x0], $0xffff;
	v8 =	vor.u32 $0xD, v1  }
0x101: {  	v11 =	vld.idx.msk [tilespmem:v9+s23+$0x0], $0xffff  }
0x102: {  	v2 =	vadd.f32 v3, v2;
	v3 =	vmul.f32 v4, v12;
	v4 =	vld.idx.msk [tilespmem:v9+s24+$0x0], $0xffff;
	v9 =	vor.u32 $0xE, v1  }
0x103: {  	v12 =	vld.idx.msk [tilespmem:v6+s23+$0x0], $0xffff  }
0x104: {  	v2 =	vadd.f32 v3, v2;
	v3 =	vmul.f32 v5, v13;
	v5 =	vld.idx.msk [tilespmem:v6+s24+$0x0], $0xffff;
	v6 =	vor.u32 $0xF, v1  }
0x105: {  	v13 =	vld.idx.msk [tilespmem:v8+s23+$0x0], $0xffff  }
0x106: {  	v2 =	vadd.f32 v3, v2;
	v3 =	vmul.f32 v7, v10;
	v7 =	vld.idx.msk [tilespmem:v8+s24+$0x0], $0xffff;
	v8 =	vor.u32 $0x10, v1  }
0x107: {  	v10 =	vld.idx.msk [tilespmem:v9+s23+$0x0], $0xffff  }
0x108: {  	v2 =	vadd.f32 v3, v2;
	v3 =	vmul.f32 v4, v11;
	v4 =	vld.idx.msk [tilespmem:v9+s24+$0x0], $0xffff;
	v9 =	vor.u32 $0x11, v1  }
0x109: {  	v11 =	vld.idx.msk [tilespmem:v6+s23+$0x0], $0xffff  }
0x10a: {  	v2 =	vadd.f32 v3, v2;
	v3 =	vmul.f32 v5, v12;
	v5 =	vld.idx.msk [tilespmem:v6+s24+$0x0], $0xffff;
	v6 =	vor.u32 $0x12, v1  }
0x10b: {  	v12 =	vld.idx.msk [tilespmem:v8+s23+$0x0], $0xffff  }
0x10c: {  	v2 =	vadd.f32 v3, v2;
	v3 =	vmul.f32 v7, v13;
	v7 =	vld.idx.msk [tilespmem:v8+s24+$0x0], $0xffff;
	v8 =	vor.u32 $0x13, v1  }
0x10d: {  	v13 =	vld.idx.msk [tilespmem:v9+s23+$0x0], $0xffff  }
0x10e: {  	v2 =	vadd.f32 v3, v2;
	v3 =	vmul.f32 v4, v10;
	v4 =	vld.idx.msk [tilespmem:v9+s24+$0x0], $0xffff;
	v9 =	vor.u32 $0x14, v1  }
0x10f: {  	v10 =	vld.idx.msk [tilespmem:v6+s23+$0x0], $0xffff  }
0x110: {  	v2 =	vadd.f32 v3, v2;
	v3 =	vmul.f32 v5, v11;
	v5 =	vld.idx.msk [tilespmem:v6+s24+$0x0], $0xffff;
	v6 =	vor.u32 $0x15, v1  }
0x111: {  	v11 =	vld.idx.msk [tilespmem:v8+s23+$0x0], $0xffff  }
0x112: {  	v2 =	vadd.f32 v3, v2;
	v3 =	vmul.f32 v7, v12;
	v7 =	vld.idx.msk [tilespmem:v8+s24+$0x0], $0xffff;
	v8 =	vor.u32 $0x16, v1  }
0x113: {  	v12 =	vld.idx.msk [tilespmem:v9+s23+$0x0], $0xffff  }
0x114: {  	v2 =	vadd.f32 v3, v2;
	v3 =	vmul.f32 v4, v13;
	v4 =	vld.idx.msk [tilespmem:v9+s24+$0x0], $0xffff;
	v9 =	vor.u32 $0x17, v1  }
0x115: {  	v13 =	vld.idx.msk [tilespmem:v6+s23+$0x0], $0xffff  }
0x116: {  	v2 =	vadd.f32 v3, v2;
	v3 =	vmul.f32 v5, v10;
	v5 =	vld.idx.msk [tilespmem:v6+s24+$0x0], $0xffff;
	v6 =	vor.u32 $0x18, v1  }
0x117: {  	v10 =	vld.idx.msk [tilespmem:v8+s23+$0x0], $0xffff  }
0x118: {  	v2 =	vadd.f32 v3, v2;
	v3 =	vmul.f32 v7, v11;
	v7 =	vld.idx.msk [tilespmem:v8+s24+$0x0], $0xffff;
	v8 =	vor.u32 $0x19, v1  }
0x119: {  	v11 =	vld.idx.msk [tilespmem:v9+s23+$0x0], $0xffff  }
0x11a: {  	v2 =	vadd.f32 v3, v2;
	v3 =	vmul.f32 v4, v12;
	v4 =	vld.idx.msk [tilespmem:v9+s24+$0x0], $0xffff;
	v9 =	vor.u32 $0x1A, v1  }
0x11b: {  	v12 =	vld.idx.msk [tilespmem:v6+s23+$0x0], $0xffff  }
0x11c: {  	v2 =	vadd.f32 v3, v2;
	v3 =	vmul.f32 v5, v13;
	v5 =	vld.idx.msk [tilespmem:v6+s24+$0x0], $0xffff;
	v6 =	vor.u32 $0x1B, v1  }
0x11d: {  	v13 =	vld.idx.msk [tilespmem:v8+s23+$0x0], $0xffff  }
0x11e: {  	v2 =	vadd.f32 v3, v2;
	v3 =	vmul.f32 v7, v10;
	v7 =	vld.idx.msk [tilespmem:v8+s24+$0x0], $0xffff;
	v8 =	vor.u32 $0x1C, v1  }
0x11f: {  	v10 =	vld.idx.msk [tilespmem:v9+s23+$0x0], $0xffff  }
0x120: {  	v2 =	vadd.f32 v3, v2;
	v3 =	vmul.f32 v4, v11;
	v4 =	vld.idx.msk [tilespmem:v9+s24+$0x0], $0xffff;
	v9 =	vor.u32 $0x1D, v1  }
0x121: {  	v11 =	vld.idx.msk [tilespmem:v6+s23+$0x0], $0xffff  }
0x122: {  	v2 =	vadd.f32 v3, v2;
	v3 =	vmul.f32 v5, v12;
	v5 =	vld.idx.msk [tilespmem:v6+s24+$0x0], $0xffff;
	v6 =	vor.u32 $0x1E, v1  }
0x123: {  	v12 =	vld.idx.msk [tilespmem:v8+s23+$0x0], $0xffff  }
0x124: {  	v1 =	vor.u32 $0x1F, v1;
	v2 =	vadd.f32 v3, v2;
	v3 =	vmul.f32 v7, v13;
	v7 =	vld.idx.msk [tilespmem:v8+s24+$0x0], $0xffff  }
0x125: {  	v8 =	vld.idx.msk [tilespmem:v9+s23+$0x0], $0xffff  }
0x126: {  	v2 =	vadd.f32 v3, v2;
	v3 =	vmul.f32 v4, v10;
	v4 =	vld.idx.msk [tilespmem:v9+s24+$0x0], $0xffff  }
0x127: {  	v9 =	vld.idx.msk [tilespmem:v6+s23+$0x0], $0xffff  }
0x128: {  	v3 =	vadd.f32 v3, v2;
	v5 =	vmul.f32 v5, v11;
	v6 =	vld.idx.msk [tilespmem:v6+s24+$0x0], $0xffff  }
0x129: {  	v2 =	vld.idx.msk [tilespmem:v1+s23+$0x0], $0xffff  }
0x12a: {  	v5 =	vadd.f32 v5, v3;
	v7 =	vmul.f32 v7, v12;
	v3 =	vld.idx.msk [tilespmem:v1+s24+$0x0], $0xffff  }
.Ltmp0:
0x12b: {  	(pc) =	sbr.rel @p0 .LBB2_2-.Ltmp0, $3  }
0x12c: {  	v1 =	vadd.f32 v7, v5;
	v4 =	vmul.f32 v4, v8;
	_ =	sdelay $0x1  }
0x12d: {  	v7 =	vmov s28;
	v4 =	vadd.f32 v4, v1;
	v5 =	vmul.f32 v6, v9  }
0x12e: {  	s28 =	sadd.s32 $0x10, s28;
	v1 =	vshll.u32 v7, $0x5  }
0x12f: {  	v1 =	vor.u32 v0, v1;
	v4 =	vadd.f32 v5, v4;
	v2 =	vmul.f32 v3, v2;
	_ =	sdelay $0x1  }
0x130: {  	v3 =	vor.u32 $0x1, v1;
	v2 =	vadd.f32 v2, v4  }
0x131: {  	s26 =	sadd.s32 $0x10, s26  }
0x132: {  	v31 =	vor.u32 $0x2, v1;
	[tilespmem:s26+$0x0] =	vst v2  }
0x133: {  	v2 =	vld.idx.msk [tilespmem:v1+s24+$0x0], $0xffff  }
0x134: {  	v6 =	vor.u32 $0x3, v1;
	v32 =	vld.idx.msk [tilespmem:v1+s23+$0x0], $0xffff  }
0x135: {  	v7 =	vld.idx.msk [tilespmem:v3+s23+$0x0], $0xffff  }
0x136: {  	v8 =	vor.u32 $0x4, v1;
	v3 =	vld.idx.msk [tilespmem:v3+s24+$0x0], $0xffff  }
0x137: {  	v9 =	vld.idx.msk [tilespmem:v31+s23+$0x0], $0xffff  }
0x138: {  	v10 =	vor.u32 $0x5, v1;
	v4 =	vld.idx.msk [tilespmem:v31+s24+$0x0], $0xffff  }
0x139: {  	v11 =	vld.idx.msk [tilespmem:v6+s23+$0x0], $0xffff;
	v2 =	vmul.f32 v2, v32  }
0x13a: {  	v34 =	vor.u32 $0x6, v1;
	v33 =	vld.idx.msk [tilespmem:v6+s24+$0x0], $0xffff  }
0x13b: {  	v12 =	vld.idx.msk [tilespmem:v8+s23+$0x0], $0xffff;
	v3 =	vmul.f32 v3, v7;
	v2 =	vadd.f32 $0.0e+00, v2  }
0x13c: {  	v36 =	vor.u32 $0x7, v1;
	v35 =	vld.idx.msk [tilespmem:v8+s24+$0x0], $0xffff  }
0x13d: {  	v13 =	vld.idx.msk [tilespmem:v10+s23+$0x0], $0xffff;
	v2 =	vadd.f32 v3, v2;
	v3 =	vmul.f32 v4, v9  }
0x13e: {  	v38 =	vor.u32 $0x8, v1;
	v37 =	vld.idx.msk [tilespmem:v10+s24+$0x0], $0xffff  }
0x13f: {  	v39 =	vld.idx.msk [tilespmem:v34+s23+$0x0], $0xffff;
	v2 =	vadd.f32 v3, v2;
	v3 =	vmul.f32 v33, v11  }
0x140: {  	v41 =	vor.u32 $0x9, v1;
	v40 =	vld.idx.msk [tilespmem:v34+s24+$0x0], $0xffff  }
0x141: {  	v42 =	vld.idx.msk [tilespmem:v36+s23+$0x0], $0xffff;
	v2 =	vadd.f32 v3, v2;
	v3 =	vmul.f32 v35, v12  }
0x142: {  	v44 =	vor.u32 $0xA, v1;
	v43 =	vld.idx.msk [tilespmem:v36+s24+$0x0], $0xffff  }
0x143: {  	v45 =	vld.idx.msk [tilespmem:v38+s23+$0x0], $0xffff;
	v2 =	vadd.f32 v3, v2;
	v3 =	vmul.f32 v37, v13  }
0x144: {  	v47 =	vor.u32 $0xB, v1;
	v46 =	vld.idx.msk [tilespmem:v38+s24+$0x0], $0xffff  }
0x145: {  	v48 =	vld.idx.msk [tilespmem:v41+s23+$0x0], $0xffff;
	v2 =	vadd.f32 v3, v2;
	v3 =	vmul.f32 v40, v39  }
0x146: {  	v50 =	vor.u32 $0xC, v1;
	v49 =	vld.idx.msk [tilespmem:v41+s24+$0x0], $0xffff  }
0x147: {  	v51 =	vld.idx.msk [tilespmem:v44+s23+$0x0], $0xffff;
	v2 =	vadd.f32 v3, v2;
	v3 =	vmul.f32 v43, v42  }
0x148: {  	v53 =	vor.u32 $0xD, v1;
	v52 =	vld.idx.msk [tilespmem:v44+s24+$0x0], $0xffff  }
0x149: {  	v54 =	vld.idx.msk [tilespmem:v47+s23+$0x0], $0xffff;
	v2 =	vadd.f32 v3, v2;
	v3 =	vmul.f32 v46, v45  }
0x14a: {  	v56 =	vor.u32 $0xE, v1;
	v55 =	vld.idx.msk [tilespmem:v47+s24+$0x0], $0xffff  }
0x14b: {  	v57 =	vld.idx.msk [tilespmem:v50+s23+$0x0], $0xffff;
	v2 =	vadd.f32 v3, v2;
	v3 =	vmul.f32 v49, v48  }
0x14c: {  	v59 =	vor.u32 $0xF, v1;
	v58 =	vld.idx.msk [tilespmem:v50+s24+$0x0], $0xffff  }
0x14d: {  	v60 =	vld.idx.msk [tilespmem:v53+s23+$0x0], $0xffff;
	v2 =	vadd.f32 v3, v2;
	v3 =	vmul.f32 v52, v51  }
0x14e: {  	v62 =	vor.u32 $0x10, v1;
	v61 =	vld.idx.msk [tilespmem:v53+s24+$0x0], $0xffff  }
0x14f: {  	v63 =	vld.idx.msk [tilespmem:v56+s23+$0x0], $0xffff;
	v2 =	vadd.f32 v3, v2;
	v3 =	vmul.f32 v55, v54  }
0x150: {  	v17 =	vor.u32 $0x11, v1;
	v16 =	vld.idx.msk [tilespmem:v56+s24+$0x0], $0xffff  }
0x151: {  	v18 =	vld.idx.msk [tilespmem:v59+s23+$0x0], $0xffff;
	v2 =	vadd.f32 v3, v2;
	v3 =	vmul.f32 v58, v57  }
0x152: {  	v20 =	vor.u32 $0x12, v1;
	v19 =	vld.idx.msk [tilespmem:v59+s24+$0x0], $0xffff  }
0x153: {  	v21 =	vld.idx.msk [tilespmem:v62+s23+$0x0], $0xffff;
	v2 =	vadd.f32 v3, v2;
	v3 =	vmul.f32 v61, v60  }
0x154: {  	v23 =	vor.u32 $0x13, v1;
	v22 =	vld.idx.msk [tilespmem:v62+s24+$0x0], $0xffff  }
0x155: {  	v24 =	vld.idx.msk [tilespmem:v17+s23+$0x0], $0xffff;
	v2 =	vadd.f32 v3, v2;
	v3 =	vmul.f32 v16, v63  }
0x156: {  	v26 =	vor.u32 $0x14, v1;
	v25 =	vld.idx.msk [tilespmem:v17+s24+$0x0], $0xffff  }
0x157: {  	v27 =	vld.idx.msk [tilespmem:v20+s23+$0x0], $0xffff;
	v2 =	vadd.f32 v3, v2;
	v3 =	vmul.f32 v19, v18  }
0x158: {  	v29 =	vor.u32 $0x15, v1;
	v28 =	vld.idx.msk [tilespmem:v20+s24+$0x0], $0xffff  }
0x159: {  	v30 =	vld.idx.msk [tilespmem:v23+s23+$0x0], $0xffff;
	v2 =	vadd.f32 v3, v2;
	v3 =	vmul.f32 v22, v21  }
0x15a: {  	v31 =	vld.idx.msk [tilespmem:v23+s24+$0x0], $0xffff;
	v32 =	vor.u32 $0x16, v1  }
0x15b: {  	v34 =	vld.idx.msk [tilespmem:v26+s24+$0x0], $0xffff;
	v2 =	vadd.f32 v3, v2;
	v3 =	vmul.f32 v25, v24  }
0x15c: {  	v33 =	vld.idx.msk [tilespmem:v26+s23+$0x0], $0xffff;
	v35 =	vor.u32 $0x17, v1  }
0x15d: {  	v36 =	vld.idx.msk [tilespmem:v29+s23+$0x0], $0xffff;
	v2 =	vadd.f32 v3, v2;
	v3 =	vmul.f32 v28, v27  }
0x15e: {  	v38 =	vor.u32 $0x18, v1;
	v37 =	vld.idx.msk [tilespmem:v29+s24+$0x0], $0xffff  }
0x15f: {  	v39 =	vld.idx.msk [tilespmem:v32+s23+$0x0], $0xffff;
	v2 =	vadd.f32 v3, v2;
	v3 =	vmul.f32 v31, v30  }
0x160: {  	v41 =	vor.u32 $0x19, v1;
	v40 =	vld.idx.msk [tilespmem:v32+s24+$0x0], $0xffff  }
0x161: {  	v42 =	vld.idx.msk [tilespmem:v35+s23+$0x0], $0xffff;
	v2 =	vadd.f32 v3, v2;
	v3 =	vmul.f32 v34, v33  }
0x162: {  	v44 =	vor.u32 $0x1A, v1;
	v43 =	vld.idx.msk [tilespmem:v35+s24+$0x0], $0xffff  }
0x163: {  	v45 =	vld.idx.msk [tilespmem:v38+s23+$0x0], $0xffff;
	v2 =	vadd.f32 v3, v2;
	v3 =	vmul.f32 v37, v36  }
0x164: {  	v47 =	vor.u32 $0x1B, v1;
	v46 =	vld.idx.msk [tilespmem:v38+s24+$0x0], $0xffff  }
0x165: {  	v48 =	vld.idx.msk [tilespmem:v41+s23+$0x0], $0xffff;
	v2 =	vadd.f32 v3, v2;
	v3 =	vmul.f32 v40, v39  }
0x166: {  	v50 =	vor.u32 $0x1C, v1;
	v49 =	vld.idx.msk [tilespmem:v41+s24+$0x0], $0xffff  }
0x167: {  	v51 =	vld.idx.msk [tilespmem:v44+s23+$0x0], $0xffff;
	v2 =	vadd.f32 v3, v2;
	v3 =	vmul.f32 v43, v42  }
0x168: {  	v53 =	vor.u32 $0x1D, v1;
	v52 =	vld.idx.msk [tilespmem:v44+s24+$0x0], $0xffff  }
0x169: {  	v54 =	vld.idx.msk [tilespmem:v47+s23+$0x0], $0xffff;
	v2 =	vadd.f32 v3, v2;
	v3 =	vmul.f32 v46, v45  }
0x16a: {  	v56 =	vor.u32 $0x1E, v1;
	v55 =	vld.idx.msk [tilespmem:v47+s24+$0x0], $0xffff  }
0x16b: {  	v57 =	vld.idx.msk [tilespmem:v50+s23+$0x0], $0xffff;
	v2 =	vadd.f32 v3, v2;
	v3 =	vmul.f32 v49, v48  }
0x16c: {  	v1 =	vor.u32 $0x1F, v1;
	v58 =	vld.idx.msk [tilespmem:v50+s24+$0x0], $0xffff  }
0x16d: {  	v59 =	vld.idx.msk [tilespmem:v53+s23+$0x0], $0xffff;
	v2 =	vadd.f32 v3, v2;
	v3 =	vmul.f32 v52, v51  }
0x16e: {  	v60 =	vld.idx.msk [tilespmem:v53+s24+$0x0], $0xffff  }
0x16f: {  	v62 =	vld.idx.msk [tilespmem:v56+s24+$0x0], $0xffff;
	v2 =	vadd.f32 v3, v2;
	v3 =	vmul.f32 v55, v54  }
0x170: {  	v61 =	vld.idx.msk [tilespmem:v56+s23+$0x0], $0xffff  }
0x171: {  	v63 =	vld.idx.msk [tilespmem:v1+s23+$0x0], $0xffff;
	v2 =	vadd.f32 v3, v2;
	v3 =	vmul.f32 v58, v57  }
0x172: {  	v1 =	vld.idx.msk [tilespmem:v1+s24+$0x0], $0xffff  }
0x173: {  	v2 =	vadd.f32 v3, v2;
	v3 =	vmul.f32 v60, v59;
	_ =	sdelay $0x1  }
0x174: {  	v2 =	vadd.f32 v3, v2;
	v3 =	vmul.f32 v62, v61;
	_ =	sdelay $0x1  }
0x175: {  	v1 =	vmul.f32 v1, v63;
	v2 =	vadd.f32 v3, v2;
	_ =	sdelay $0x1  }
0x176: {  	s25 =	sadd.s32 $0x1, s25;
	v1 =	vadd.f32 v1, v2  }
0x177: {  	p0 =	sne.s32 s25, s14;
	s26 =	sadd.s32 $0x10, s26  }
.Ltmp1:
0x178: {  	[tilespmem:s26+$0x0] =	vst v1;
	(pc) =	sbr.rel @p0 .LBB2_1-.Ltmp1, $4  }
0x179: {  	[hbm4b:s13+s1] =	stream.linear.scatter [tilespmem:s2], [sflag:$0x2], $0x200, $0x38;
	[tilespmem:$0x8600] =	vst v63  }
0x17a: {  	_ =	swait.ge [sflag:s15], $0x200  }
0x17b: {  	[sflag:s15] =	ssyncset.done $0x0  }
0x17c: {  	[sflag:s15] =	ssyncadd.s32 $0xFFFFFE00  }
0x17d: {  	_ =	sfence.sel $0x180000  }
0x17e: {  	[bflag:$0x0] =	sbarrier.arrive $0xFFFF  }
0x17f: {  	_ =	strace $0x90000047  }
0x180: {  	s0 =	stileid.u32;
	[bflag:$0x2] =	sbarrier.arrive $0xFFFF  }
0x181: {  	p0 =	sne.s32 s0, $0x0;
	s0 =	rddreg [dreg:$0x4]  }
0x182: {  	s0 =	sadd.s32 @!p0 $0x100000, s0  }
0x183: {  	[sflag:s0] =	ssyncadd.tile.s32 @!p0 $0x1;
	_ =	shalt  }
.Lfunc_end2:
_tile_overlayer_lowered:
.L_overlay_start_2:
0x184: {  	(tag) =	ssettag $0x2  }
0x185: {  	s0 =	rddreg [dreg:$0x0];
	s2 =	stileid.u32  }
0x186: {  	s1 =	rddreg [dreg:$0x1];
	p0 =	sne.s32 s2, $0x0  }
0x187: {  	s3 =	rddreg [dreg:$0x2];
	[bflag:$0x3] =	sbarrier.arrive $0xFFFF;
	s2 =	simm.s32 @!p0 $0x1C02  }
0x188: {  	[timem:s3], [sflag:s2] =	dma.local @!p0 [hbm:s0], s1  }
0x189: {  	s0 =	simm.s32 @!p0 $0x2  }
0x18a: {  	_ =	swait.ge @!p0 [sflag:s0], s1  }
0x18b: {  	s1 =	ssub.s32 @!p0 $0x0, s1;
	[sflag:s0] =	ssyncset.done @!p0 $0x0  }
0x18c: {  	[sflag:s0] =	ssyncadd.s32 @!p0 s1  }
0x18d: {  	[bflag:$0x3] =	sbarrier.arrive $0xFFFF  }
0x18e: {  	_ =	shalt  }

</sc_bundles>
